<compile_context>
chip_gen: v7x
topology: tpu7x:2x2x1
jax: 0.10.2.dev20260603
libtpu: 0.0.44.dev20260713+nightly
codegen_flags: <defaults>
</compile_context>

<pallas_src>
import jax
import jax.numpy as jnp
from jax import lax
from jax.experimental import pallas as pl
from jax.experimental.pallas import tpu as pltpu
from jax.experimental.pallas import tpu_sc as plsc

VOCAB_TOTAL = 1000000
BATCH = 4096
SEQ = 200
D = 64
DPAD = 128
NC = 2
NS = 16
NW = NC * NS
WB = BATCH // NW
NBUF = 4
AHEAD = 2
GROUPS = SEQ // NBUF

def _emb_body(xt_hbm, tbl_hbm, out_hbm, idx_v, rows_v, *sems):
    gsems, osems = sems[:NBUF], sems[NBUF:]
    wid = lax.axis_index("s") * NC + lax.axis_index("c")
    bbase = wid * WB
    pltpu.sync_copy(xt_hbm.at[:, pl.ds(bbase, WB)], idx_v)

    def fire_gather(s, slot):
        pltpu.async_copy(
            tbl_hbm.at[idx_v.at[s]],
            rows_v.at[pl.ds(slot * WB, WB)],
            gsems[slot])

    def wait_gather(slot):
        pltpu.make_async_copy(
            tbl_hbm.at[idx_v.at[0]],
            rows_v.at[pl.ds(slot * WB, WB)],
            gsems[slot]).wait()

    def fire_scatter(s, slot):
        pltpu.async_copy(
            rows_v.at[pl.ds(slot * WB, WB)],
            out_hbm.at[s, pl.ds(bbase, WB), :],
            osems[slot])

    def wait_scatter(slot):
        pltpu.make_async_copy(
            rows_v.at[pl.ds(slot * WB, WB)],
            out_hbm.at[0, pl.ds(bbase, WB), :],
            osems[slot]).wait()

    def process(s, slot, wait_scat, fire_ahead):
        wait_gather(slot)
        fire_scatter(s, slot)
        if fire_ahead:
            slot2 = (slot + AHEAD) % NBUF
            if wait_scat:
                wait_scatter(slot2)
            fire_gather(s + AHEAD, slot2)

    for s in range(AHEAD):
        fire_gather(s, s % NBUF)

    for b in range(NBUF):
        process(b, b, wait_scat=(b + AHEAD >= NBUF), fire_ahead=True)

    def group(m, carry):
        s0 = m * NBUF
        for b in range(NBUF):
            process(s0 + b, b, wait_scat=True, fire_ahead=True)
        return carry

    lax.fori_loop(1, GROUPS - 1, group, 0)

    s0 = (GROUPS - 1) * NBUF
    for b in range(NBUF):
        process(s0 + b, b, wait_scat=True, fire_ahead=(b + AHEAD < NBUF))
    for b in range(NBUF):
        wait_scatter(b)


@jax.jit
def _emb_call(xt, tbl):
    mesh = plsc.VectorSubcoreMesh(core_axis_name="c", subcore_axis_name="s")
    return pl.kernel(
        _emb_body,
        mesh=mesh,
        out_type=jax.ShapeDtypeStruct((SEQ, BATCH, DPAD), jnp.float32),
        scratch_types=[
            pltpu.VMEM((SEQ, WB), jnp.int32),
            pltpu.VMEM((NBUF * WB, DPAD), jnp.float32),
        ] + [pltpu.SemaphoreType.DMA] * (2 * NBUF),
        compiler_params=pltpu.CompilerParams(use_tc_tiling_on_sc=True),
    )(xt, tbl)


def kernel(x, table):
    xt = jnp.transpose(x)
    tbl = jnp.pad(table, ((0, 0), (0, DPAD - D)))
    return _emb_call(xt, tbl)[:, :, :D]

# --- scband reference (transcript-rebuilt; emitter-appended) ---
"""Pipeline reference for scband-encoder-83167746720501 (READ-ONLY COPY).

The authoritative reference and input builder live on the scoring server;
editing this copy changes nothing except your own understanding.
"""

import jax, jax.numpy as jnp
import numpy as np

VOCAB = 1000000
D_MODEL = 64
PAD_IDX = 0

def setup_inputs(seed: int = 0) -> dict:
    key = jax.random.key(seed)
    k_idx, k_tbl = jax.random.split(key)
    x = jax.random.randint(k_idx, (4096, 200), 0, VOCAB, dtype=jnp.int64 if jax.config.jax_enable_x64 else jnp.int32)
    table = jax.random.normal(k_tbl, (VOCAB, D_MODEL), dtype=jnp.float32)
    # nn.Embedding with padding_idx zeroes that row at init
    table = table.at[PAD_IDX].set(0.0)
    return {"x": x, "table": table}

def reference(x, table):
    # embedding lookup: (batch, seq) -> (batch, seq, d_model)
    emb = jnp.take(table, x, axis=0)
    # permute(1, 0, 2): (seq, batch, d_model)
    return jnp.transpose(emb, (1, 0, 2))

if __name__ == "__main__":
    import jax
    _d = setup_inputs()
    print(jax.jit(kernel)(*tuple(_d.values())))

</pallas_src>

<mosaic_0001>
#map = affine_map<(d0, d1) -> (0, 0)>
#map1 = affine_map<(d0, d1) -> (0, 0, 0)>
module attributes {stable_mosaic.version = 14 : i64} {
  func.func @_emb_body(%arg0: i32, %arg1: i32, %arg2: memref<200x4096xi32, #tpu.memory_space<hbm>>, %arg3: memref<1000000x128xf32, #tpu.memory_space<hbm>>, %arg4: memref<200x4096x128xf32, #tpu.memory_space<hbm>>, %arg5: memref<200x128xi32, #tpu.memory_space<vmem>>, %arg6: memref<512x128xf32, #tpu.memory_space<vmem>>, %arg7: memref<!tpu.dma_semaphore, #tpu.memory_space<semaphore_mem>>, %arg8: memref<!tpu.dma_semaphore, #tpu.memory_space<semaphore_mem>>, %arg9: memref<!tpu.dma_semaphore, #tpu.memory_space<semaphore_mem>>, %arg10: memref<!tpu.dma_semaphore, #tpu.memory_space<semaphore_mem>>, %arg11: memref<!tpu.dma_semaphore, #tpu.memory_space<semaphore_mem>>, %arg12: memref<!tpu.dma_semaphore, #tpu.memory_space<semaphore_mem>>, %arg13: memref<!tpu.dma_semaphore, #tpu.memory_space<semaphore_mem>>, %arg14: memref<!tpu.dma_semaphore, #tpu.memory_space<semaphore_mem>>) attributes {dimension_semantics = [#tpu.dimension_semantics<core_parallel>, #tpu.dimension_semantics<subcore_parallel>], iteration_bounds = array<i64: 2, 16>, scalar_prefetch = 0 : i64, scratch_operands = 10 : i64, tpu.core_type = #tpu.core_type<sc_vector_subcore>, window_params = [{transform_indices = #map}, {transform_indices = #map}, {transform_indices = #map1}]} {
    %mul3A = arith.constant 2 : i32
    %mul3A_0 = arith.muli %arg1, %mul3A : i32
    %add3A = arith.addi %mul3A_0, %arg0 : i32
    %mul3A_1 = arith.constant 128 : i32
    %mul3A_2 = arith.muli %add3A, %mul3A_1 : i32
    "tpu.region"() ({
      %run_scoped3A = tpu.sem_alloc : memref<!tpu.dma_semaphore, #tpu.memory_space<semaphore_mem>>
      %dma_start3A_374 = arith.constant 0 : i32
      %dma_start3A_375 = tpu.memref_slice %arg2[%dma_start3A_374, %mul3A_2] : memref<200x4096xi32, #tpu.memory_space<hbm>> -> memref<200x128xi32, #tpu.memory_space<hbm>>
      %dma_start3A_376 = arith.constant 0 : i32
      %dma_start3A_377 = tpu.memref_slice %arg2[%dma_start3A_376, %mul3A_2] : memref<200x4096xi32, #tpu.memory_space<hbm>> -> memref<200x128xi32, #tpu.memory_space<hbm>>
      tpu.enqueue_dma source(%dma_start3A_377 : memref<200x128xi32, #tpu.memory_space<hbm>>) target(%arg5 : memref<200x128xi32, #tpu.memory_space<vmem>>) target_semaphore(%run_scoped3A : memref<!tpu.dma_semaphore, #tpu.memory_space<semaphore_mem>>)
      %dma_wait3A_378 = arith.constant 0 : i32
      %dma_wait3A_379 = tpu.memref_slice %arg2[%dma_wait3A_378, %mul3A_2] : memref<200x4096xi32, #tpu.memory_space<hbm>> -> memref<200x128xi32, #tpu.memory_space<hbm>>
      %dma_wait3A_380 = arith.constant 0 : i32
      %dma_wait3A_381 = tpu.memref_slice %arg2[%dma_wait3A_380, %mul3A_2] : memref<200x4096xi32, #tpu.memory_space<hbm>> -> memref<200x128xi32, #tpu.memory_space<hbm>>
      tpu.wait_dma2 semaphore(%run_scoped3A : memref<!tpu.dma_semaphore, #tpu.memory_space<semaphore_mem>>) src(%dma_wait3A_381 : memref<200x128xi32, #tpu.memory_space<hbm>>) dst(%arg5 : memref<200x128xi32, #tpu.memory_space<vmem>>)
      tpu.yield
    }) : () -> ()
    %dma_start3A = arith.constant 0 : i32
    %dma_start3A_3 = arith.constant 0 : i32
    %dma_start3A_4 = arith.constant 0 : i32
    %dma_start3A_5 = tpu.memref_slice %arg6[%dma_start3A_3, %dma_start3A_4] : memref<512x128xf32, #tpu.memory_space<vmem>> -> memref<128x128xf32, #tpu.memory_space<vmem>>
    %dma_start3A_6 = arith.constant 0 : i32
    %dma_start3A_7 = tpu.memref_slice %arg5[%dma_start3A, %dma_start3A_6] : memref<200x128xi32, #tpu.memory_space<vmem>> -> memref<1x128xi32, #tpu.memory_space<vmem>>
    %dma_start3A_8 = tpu.memref_squeeze %dma_start3A_7 : memref<1x128xi32, #tpu.memory_space<vmem>> -> memref<128xi32, #tpu.memory_space<vmem>>
    %dma_start3A_9 = arith.constant 0 : i32
    %dma_start3A_10 = arith.constant 0 : i32
    %dma_start3A_11 = tpu.memref_slice %arg3[%dma_start3A_9, %dma_start3A_10] : memref<1000000x128xf32, #tpu.memory_space<hbm>> -> memref<1000000x128xf32, #tpu.memory_space<hbm>>
    tpu.enqueue_indirect_dma source(%dma_start3A_11 : memref<1000000x128xf32, #tpu.memory_space<hbm>>) target(%dma_start3A_5 : memref<128x128xf32, #tpu.memory_space<vmem>>) offsets(%dma_start3A_8 : memref<128xi32, #tpu.memory_space<vmem>>) semaphore(%arg7 : memref<!tpu.dma_semaphore, #tpu.memory_space<semaphore_mem>>)
    %dma_start3A_12 = arith.constant 1 : i32
    %dma_start3A_13 = arith.constant 128 : i32
    %dma_start3A_14 = arith.constant 0 : i32
    %dma_start3A_15 = tpu.memref_slice %arg6[%dma_start3A_13, %dma_start3A_14] : memref<512x128xf32, #tpu.memory_space<vmem>> -> memref<128x128xf32, #tpu.memory_space<vmem>>
    %dma_start3A_16 = arith.constant 0 : i32
    %dma_start3A_17 = tpu.memref_slice %arg5[%dma_start3A_12, %dma_start3A_16] : memref<200x128xi32, #tpu.memory_space<vmem>> -> memref<1x128xi32, #tpu.memory_space<vmem>>
    %dma_start3A_18 = tpu.memref_squeeze %dma_start3A_17 : memref<1x128xi32, #tpu.memory_space<vmem>> -> memref<128xi32, #tpu.memory_space<vmem>>
    %dma_start3A_19 = arith.constant 0 : i32
    %dma_start3A_20 = arith.constant 0 : i32
    %dma_start3A_21 = tpu.memref_slice %arg3[%dma_start3A_19, %dma_start3A_20] : memref<1000000x128xf32, #tpu.memory_space<hbm>> -> memref<1000000x128xf32, #tpu.memory_space<hbm>>
    tpu.enqueue_indirect_dma source(%dma_start3A_21 : memref<1000000x128xf32, #tpu.memory_space<hbm>>) target(%dma_start3A_15 : memref<128x128xf32, #tpu.memory_space<vmem>>) offsets(%dma_start3A_18 : memref<128xi32, #tpu.memory_space<vmem>>) semaphore(%arg8 : memref<!tpu.dma_semaphore, #tpu.memory_space<semaphore_mem>>)
    %dma_wait3A = arith.constant 0 : i32
    %dma_wait3A_22 = arith.constant 0 : i32
    %dma_wait3A_23 = arith.constant 0 : i32
    %dma_wait3A_24 = tpu.memref_slice %arg6[%dma_wait3A_22, %dma_wait3A_23] : memref<512x128xf32, #tpu.memory_space<vmem>> -> memref<128x128xf32, #tpu.memory_space<vmem>>
    %dma_wait3A_25 = arith.constant 0 : i32
    %dma_wait3A_26 = tpu.memref_slice %arg5[%dma_wait3A, %dma_wait3A_25] : memref<200x128xi32, #tpu.memory_space<vmem>> -> memref<1x128xi32, #tpu.memory_space<vmem>>
    %dma_wait3A_27 = tpu.memref_squeeze %dma_wait3A_26 : memref<1x128xi32, #tpu.memory_space<vmem>> -> memref<128xi32, #tpu.memory_space<vmem>>
    %dma_wait3A_28 = arith.constant 0 : i32
    %dma_wait3A_29 = arith.constant 0 : i32
    %dma_wait3A_30 = tpu.memref_slice %arg3[%dma_wait3A_28, %dma_wait3A_29] : memref<1000000x128xf32, #tpu.memory_space<hbm>> -> memref<1000000x128xf32, #tpu.memory_space<hbm>>
    tpu.wait_indirect_dma semaphore(%arg7 : memref<!tpu.dma_semaphore, #tpu.memory_space<semaphore_mem>>) src(%dma_wait3A_30 : memref<1000000x128xf32, #tpu.memory_space<hbm>>) dst(%dma_wait3A_24 : memref<128x128xf32, #tpu.memory_space<vmem>>)
    %dma_start3A_31 = arith.constant 0 : i32
    %dma_start3A_32 = arith.constant 0 : i32
    %dma_start3A_33 = arith.constant 0 : i32
    %dma_start3A_34 = tpu.memref_slice %arg6[%dma_start3A_32, %dma_start3A_33] : memref<512x128xf32, #tpu.memory_space<vmem>> -> memref<128x128xf32, #tpu.memory_space<vmem>>
    %dma_start3A_35 = arith.constant 0 : i32
    %dma_start3A_36 = tpu.memref_slice %arg4[%dma_start3A_31, %mul3A_2, %dma_start3A_35] : memref<200x4096x128xf32, #tpu.memory_space<hbm>> -> memref<1x128x128xf32, #tpu.memory_space<hbm>>
    %dma_start3A_37 = tpu.memref_squeeze %dma_start3A_36 : memref<1x128x128xf32, #tpu.memory_space<hbm>> -> memref<128x128xf32, #tpu.memory_space<hbm>>
    %dma_start3A_38 = arith.constant 0 : i32
    %dma_start3A_39 = tpu.memref_slice %arg4[%dma_start3A_31, %mul3A_2, %dma_start3A_38] : memref<200x4096x128xf32, #tpu.memory_space<hbm>> -> memref<1x128x128xf32, #tpu.memory_space<hbm>>
    %dma_start3A_40 = tpu.memref_squeeze %dma_start3A_39 : memref<1x128x128xf32, #tpu.memory_space<hbm>> -> memref<128x128xf32, #tpu.memory_space<hbm>>
    %dma_start3A_41 = arith.constant 0 : i32
    %dma_start3A_42 = arith.constant 0 : i32
    %dma_start3A_43 = tpu.memref_slice %arg6[%dma_start3A_41, %dma_start3A_42] : memref<512x128xf32, #tpu.memory_space<vmem>> -> memref<128x128xf32, #tpu.memory_space<vmem>>
    tpu.enqueue_dma source(%dma_start3A_43 : memref<128x128xf32, #tpu.memory_space<vmem>>) target(%dma_start3A_40 : memref<128x128xf32, #tpu.memory_space<hbm>>) target_semaphore(%arg11 : memref<!tpu.dma_semaphore, #tpu.memory_space<semaphore_mem>>)
    %dma_start3A_44 = arith.constant 2 : i32
    %dma_start3A_45 = arith.constant 256 : i32
    %dma_start3A_46 = arith.constant 0 : i32
    %dma_start3A_47 = tpu.memref_slice %arg6[%dma_start3A_45, %dma_start3A_46] : memref<512x128xf32, #tpu.memory_space<vmem>> -> memref<128x128xf32, #tpu.memory_space<vmem>>
    %dma_start3A_48 = arith.constant 0 : i32
    %dma_start3A_49 = tpu.memref_slice %arg5[%dma_start3A_44, %dma_start3A_48] : memref<200x128xi32, #tpu.memory_space<vmem>> -> memref<1x128xi32, #tpu.memory_space<vmem>>
    %dma_start3A_50 = tpu.memref_squeeze %dma_start3A_49 : memref<1x128xi32, #tpu.memory_space<vmem>> -> memref<128xi32, #tpu.memory_space<vmem>>
    %dma_start3A_51 = arith.constant 0 : i32
    %dma_start3A_52 = arith.constant 0 : i32
    %dma_start3A_53 = tpu.memref_slice %arg3[%dma_start3A_51, %dma_start3A_52] : memref<1000000x128xf32, #tpu.memory_space<hbm>> -> memref<1000000x128xf32, #tpu.memory_space<hbm>>
    tpu.enqueue_indirect_dma source(%dma_start3A_53 : memref<1000000x128xf32, #tpu.memory_space<hbm>>) target(%dma_start3A_47 : memref<128x128xf32, #tpu.memory_space<vmem>>) offsets(%dma_start3A_50 : memref<128xi32, #tpu.memory_space<vmem>>) semaphore(%arg9 : memref<!tpu.dma_semaphore, #tpu.memory_space<semaphore_mem>>)
    %dma_wait3A_54 = arith.constant 0 : i32
    %dma_wait3A_55 = arith.constant 128 : i32
    %dma_wait3A_56 = arith.constant 0 : i32
    %dma_wait3A_57 = tpu.memref_slice %arg6[%dma_wait3A_55, %dma_wait3A_56] : memref<512x128xf32, #tpu.memory_space<vmem>> -> memref<128x128xf32, #tpu.memory_space<vmem>>
    %dma_wait3A_58 = arith.constant 0 : i32
    %dma_wait3A_59 = tpu.memref_slice %arg5[%dma_wait3A_54, %dma_wait3A_58] : memref<200x128xi32, #tpu.memory_space<vmem>> -> memref<1x128xi32, #tpu.memory_space<vmem>>
    %dma_wait3A_60 = tpu.memref_squeeze %dma_wait3A_59 : memref<1x128xi32, #tpu.memory_space<vmem>> -> memref<128xi32, #tpu.memory_space<vmem>>
    %dma_wait3A_61 = arith.constant 0 : i32
    %dma_wait3A_62 = arith.constant 0 : i32
    %dma_wait3A_63 = tpu.memref_slice %arg3[%dma_wait3A_61, %dma_wait3A_62] : memref<1000000x128xf32, #tpu.memory_space<hbm>> -> memref<1000000x128xf32, #tpu.memory_space<hbm>>
    tpu.wait_indirect_dma semaphore(%arg8 : memref<!tpu.dma_semaphore, #tpu.memory_space<semaphore_mem>>) src(%dma_wait3A_63 : memref<1000000x128xf32, #tpu.memory_space<hbm>>) dst(%dma_wait3A_57 : memref<128x128xf32, #tpu.memory_space<vmem>>)
    %dma_start3A_64 = arith.constant 1 : i32
    %dma_start3A_65 = arith.constant 128 : i32
    %dma_start3A_66 = arith.constant 0 : i32
    %dma_start3A_67 = tpu.memref_slice %arg6[%dma_start3A_65, %dma_start3A_66] : memref<512x128xf32, #tpu.memory_space<vmem>> -> memref<128x128xf32, #tpu.memory_space<vmem>>
    %dma_start3A_68 = arith.constant 0 : i32
    %dma_start3A_69 = tpu.memref_slice %arg4[%dma_start3A_64, %mul3A_2, %dma_start3A_68] : memref<200x4096x128xf32, #tpu.memory_space<hbm>> -> memref<1x128x128xf32, #tpu.memory_space<hbm>>
    %dma_start3A_70 = tpu.memref_squeeze %dma_start3A_69 : memref<1x128x128xf32, #tpu.memory_space<hbm>> -> memref<128x128xf32, #tpu.memory_space<hbm>>
    %dma_start3A_71 = arith.constant 0 : i32
    %dma_start3A_72 = tpu.memref_slice %arg4[%dma_start3A_64, %mul3A_2, %dma_start3A_71] : memref<200x4096x128xf32, #tpu.memory_space<hbm>> -> memref<1x128x128xf32, #tpu.memory_space<hbm>>
    %dma_start3A_73 = tpu.memref_squeeze %dma_start3A_72 : memref<1x128x128xf32, #tpu.memory_space<hbm>> -> memref<128x128xf32, #tpu.memory_space<hbm>>
    %dma_start3A_74 = arith.constant 128 : i32
    %dma_start3A_75 = arith.constant 0 : i32
    %dma_start3A_76 = tpu.memref_slice %arg6[%dma_start3A_74, %dma_start3A_75] : memref<512x128xf32, #tpu.memory_space<vmem>> -> memref<128x128xf32, #tpu.memory_space<vmem>>
    tpu.enqueue_dma source(%dma_start3A_76 : memref<128x128xf32, #tpu.memory_space<vmem>>) target(%dma_start3A_73 : memref<128x128xf32, #tpu.memory_space<hbm>>) target_semaphore(%arg12 : memref<!tpu.dma_semaphore, #tpu.memory_space<semaphore_mem>>)
    %dma_start3A_77 = arith.constant 3 : i32
    %dma_start3A_78 = arith.constant 384 : i32
    %dma_start3A_79 = arith.constant 0 : i32
    %dma_start3A_80 = tpu.memref_slice %arg6[%dma_start3A_78, %dma_start3A_79] : memref<512x128xf32, #tpu.memory_space<vmem>> -> memref<128x128xf32, #tpu.memory_space<vmem>>
    %dma_start3A_81 = arith.constant 0 : i32
    %dma_start3A_82 = tpu.memref_slice %arg5[%dma_start3A_77, %dma_start3A_81] : memref<200x128xi32, #tpu.memory_space<vmem>> -> memref<1x128xi32, #tpu.memory_space<vmem>>
    %dma_start3A_83 = tpu.memref_squeeze %dma_start3A_82 : memref<1x128xi32, #tpu.memory_space<vmem>> -> memref<128xi32, #tpu.memory_space<vmem>>
    %dma_start3A_84 = arith.constant 0 : i32
    %dma_start3A_85 = arith.constant 0 : i32
    %dma_start3A_86 = tpu.memref_slice %arg3[%dma_start3A_84, %dma_start3A_85] : memref<1000000x128xf32, #tpu.memory_space<hbm>> -> memref<1000000x128xf32, #tpu.memory_space<hbm>>
    tpu.enqueue_indirect_dma source(%dma_start3A_86 : memref<1000000x128xf32, #tpu.memory_space<hbm>>) target(%dma_start3A_80 : memref<128x128xf32, #tpu.memory_space<vmem>>) offsets(%dma_start3A_83 : memref<128xi32, #tpu.memory_space<vmem>>) semaphore(%arg10 : memref<!tpu.dma_semaphore, #tpu.memory_space<semaphore_mem>>)
    %dma_wait3A_87 = arith.constant 0 : i32
    %dma_wait3A_88 = arith.constant 256 : i32
    %dma_wait3A_89 = arith.constant 0 : i32
    %dma_wait3A_90 = tpu.memref_slice %arg6[%dma_wait3A_88, %dma_wait3A_89] : memref<512x128xf32, #tpu.memory_space<vmem>> -> memref<128x128xf32, #tpu.memory_space<vmem>>
    %dma_wait3A_91 = arith.constant 0 : i32
    %dma_wait3A_92 = tpu.memref_slice %arg5[%dma_wait3A_87, %dma_wait3A_91] : memref<200x128xi32, #tpu.memory_space<vmem>> -> memref<1x128xi32, #tpu.memory_space<vmem>>
    %dma_wait3A_93 = tpu.memref_squeeze %dma_wait3A_92 : memref<1x128xi32, #tpu.memory_space<vmem>> -> memref<128xi32, #tpu.memory_space<vmem>>
    %dma_wait3A_94 = arith.constant 0 : i32
    %dma_wait3A_95 = arith.constant 0 : i32
    %dma_wait3A_96 = tpu.memref_slice %arg3[%dma_wait3A_94, %dma_wait3A_95] : memref<1000000x128xf32, #tpu.memory_space<hbm>> -> memref<1000000x128xf32, #tpu.memory_space<hbm>>
    tpu.wait_indirect_dma semaphore(%arg9 : memref<!tpu.dma_semaphore, #tpu.memory_space<semaphore_mem>>) src(%dma_wait3A_96 : memref<1000000x128xf32, #tpu.memory_space<hbm>>) dst(%dma_wait3A_90 : memref<128x128xf32, #tpu.memory_space<vmem>>)
    %dma_start3A_97 = arith.constant 2 : i32
    %dma_start3A_98 = arith.constant 256 : i32
    %dma_start3A_99 = arith.constant 0 : i32
    %dma_start3A_100 = tpu.memref_slice %arg6[%dma_start3A_98, %dma_start3A_99] : memref<512x128xf32, #tpu.memory_space<vmem>> -> memref<128x128xf32, #tpu.memory_space<vmem>>
    %dma_start3A_101 = arith.constant 0 : i32
    %dma_start3A_102 = tpu.memref_slice %arg4[%dma_start3A_97, %mul3A_2, %dma_start3A_101] : memref<200x4096x128xf32, #tpu.memory_space<hbm>> -> memref<1x128x128xf32, #tpu.memory_space<hbm>>
    %dma_start3A_103 = tpu.memref_squeeze %dma_start3A_102 : memref<1x128x128xf32, #tpu.memory_space<hbm>> -> memref<128x128xf32, #tpu.memory_space<hbm>>
    %dma_start3A_104 = arith.constant 0 : i32
    %dma_start3A_105 = tpu.memref_slice %arg4[%dma_start3A_97, %mul3A_2, %dma_start3A_104] : memref<200x4096x128xf32, #tpu.memory_space<hbm>> -> memref<1x128x128xf32, #tpu.memory_space<hbm>>
    %dma_start3A_106 = tpu.memref_squeeze %dma_start3A_105 : memref<1x128x128xf32, #tpu.memory_space<hbm>> -> memref<128x128xf32, #tpu.memory_space<hbm>>
    %dma_start3A_107 = arith.constant 256 : i32
    %dma_start3A_108 = arith.constant 0 : i32
    %dma_start3A_109 = tpu.memref_slice %arg6[%dma_start3A_107, %dma_start3A_108] : memref<512x128xf32, #tpu.memory_space<vmem>> -> memref<128x128xf32, #tpu.memory_space<vmem>>
    tpu.enqueue_dma source(%dma_start3A_109 : memref<128x128xf32, #tpu.memory_space<vmem>>) target(%dma_start3A_106 : memref<128x128xf32, #tpu.memory_space<hbm>>) target_semaphore(%arg13 : memref<!tpu.dma_semaphore, #tpu.memory_space<semaphore_mem>>)
    %dma_wait3A_110 = arith.constant 0 : i32
    %dma_wait3A_111 = arith.constant 0 : i32
    %dma_wait3A_112 = arith.constant 0 : i32
    %dma_wait3A_113 = tpu.memref_slice %arg6[%dma_wait3A_111, %dma_wait3A_112] : memref<512x128xf32, #tpu.memory_space<vmem>> -> memref<128x128xf32, #tpu.memory_space<vmem>>
    %dma_wait3A_114 = arith.constant 0 : i32
    %dma_wait3A_115 = tpu.memref_slice %arg4[%dma_wait3A_110, %mul3A_2, %dma_wait3A_114] : memref<200x4096x128xf32, #tpu.memory_space<hbm>> -> memref<1x128x128xf32, #tpu.memory_space<hbm>>
    %dma_wait3A_116 = tpu.memref_squeeze %dma_wait3A_115 : memref<1x128x128xf32, #tpu.memory_space<hbm>> -> memref<128x128xf32, #tpu.memory_space<hbm>>
    %dma_wait3A_117 = arith.constant 0 : i32
    %dma_wait3A_118 = tpu.memref_slice %arg4[%dma_wait3A_110, %mul3A_2, %dma_wait3A_117] : memref<200x4096x128xf32, #tpu.memory_space<hbm>> -> memref<1x128x128xf32, #tpu.memory_space<hbm>>
    %dma_wait3A_119 = tpu.memref_squeeze %dma_wait3A_118 : memref<1x128x128xf32, #tpu.memory_space<hbm>> -> memref<128x128xf32, #tpu.memory_space<hbm>>
    %dma_wait3A_120 = arith.constant 0 : i32
    %dma_wait3A_121 = arith.constant 0 : i32
    %dma_wait3A_122 = tpu.memref_slice %arg6[%dma_wait3A_120, %dma_wait3A_121] : memref<512x128xf32, #tpu.memory_space<vmem>> -> memref<128x128xf32, #tpu.memory_space<vmem>>
    tpu.wait_dma2 semaphore(%arg11 : memref<!tpu.dma_semaphore, #tpu.memory_space<semaphore_mem>>) src(%dma_wait3A_122 : memref<128x128xf32, #tpu.memory_space<vmem>>) dst(%dma_wait3A_119 : memref<128x128xf32, #tpu.memory_space<hbm>>)
    %dma_start3A_123 = arith.constant 4 : i32
    %dma_start3A_124 = arith.constant 0 : i32
    %dma_start3A_125 = arith.constant 0 : i32
    %dma_start3A_126 = tpu.memref_slice %arg6[%dma_start3A_124, %dma_start3A_125] : memref<512x128xf32, #tpu.memory_space<vmem>> -> memref<128x128xf32, #tpu.memory_space<vmem>>
    %dma_start3A_127 = arith.constant 0 : i32
    %dma_start3A_128 = tpu.memref_slice %arg5[%dma_start3A_123, %dma_start3A_127] : memref<200x128xi32, #tpu.memory_space<vmem>> -> memref<1x128xi32, #tpu.memory_space<vmem>>
    %dma_start3A_129 = tpu.memref_squeeze %dma_start3A_128 : memref<1x128xi32, #tpu.memory_space<vmem>> -> memref<128xi32, #tpu.memory_space<vmem>>
    %dma_start3A_130 = arith.constant 0 : i32
    %dma_start3A_131 = arith.constant 0 : i32
    %dma_start3A_132 = tpu.memref_slice %arg3[%dma_start3A_130, %dma_start3A_131] : memref<1000000x128xf32, #tpu.memory_space<hbm>> -> memref<1000000x128xf32, #tpu.memory_space<hbm>>
    tpu.enqueue_indirect_dma source(%dma_start3A_132 : memref<1000000x128xf32, #tpu.memory_space<hbm>>) target(%dma_start3A_126 : memref<128x128xf32, #tpu.memory_space<vmem>>) offsets(%dma_start3A_129 : memref<128xi32, #tpu.memory_space<vmem>>) semaphore(%arg7 : memref<!tpu.dma_semaphore, #tpu.memory_space<semaphore_mem>>)
    %dma_wait3A_133 = arith.constant 0 : i32
    %dma_wait3A_134 = arith.constant 384 : i32
    %dma_wait3A_135 = arith.constant 0 : i32
    %dma_wait3A_136 = tpu.memref_slice %arg6[%dma_wait3A_134, %dma_wait3A_135] : memref<512x128xf32, #tpu.memory_space<vmem>> -> memref<128x128xf32, #tpu.memory_space<vmem>>
    %dma_wait3A_137 = arith.constant 0 : i32
    %dma_wait3A_138 = tpu.memref_slice %arg5[%dma_wait3A_133, %dma_wait3A_137] : memref<200x128xi32, #tpu.memory_space<vmem>> -> memref<1x128xi32, #tpu.memory_space<vmem>>
    %dma_wait3A_139 = tpu.memref_squeeze %dma_wait3A_138 : memref<1x128xi32, #tpu.memory_space<vmem>> -> memref<128xi32, #tpu.memory_space<vmem>>
    %dma_wait3A_140 = arith.constant 0 : i32
    %dma_wait3A_141 = arith.constant 0 : i32
    %dma_wait3A_142 = tpu.memref_slice %arg3[%dma_wait3A_140, %dma_wait3A_141] : memref<1000000x128xf32, #tpu.memory_space<hbm>> -> memref<1000000x128xf32, #tpu.memory_space<hbm>>
    tpu.wait_indirect_dma semaphore(%arg10 : memref<!tpu.dma_semaphore, #tpu.memory_space<semaphore_mem>>) src(%dma_wait3A_142 : memref<1000000x128xf32, #tpu.memory_space<hbm>>) dst(%dma_wait3A_136 : memref<128x128xf32, #tpu.memory_space<vmem>>)
    %dma_start3A_143 = arith.constant 3 : i32
    %dma_start3A_144 = arith.constant 384 : i32
    %dma_start3A_145 = arith.constant 0 : i32
    %dma_start3A_146 = tpu.memref_slice %arg6[%dma_start3A_144, %dma_start3A_145] : memref<512x128xf32, #tpu.memory_space<vmem>> -> memref<128x128xf32, #tpu.memory_space<vmem>>
    %dma_start3A_147 = arith.constant 0 : i32
    %dma_start3A_148 = tpu.memref_slice %arg4[%dma_start3A_143, %mul3A_2, %dma_start3A_147] : memref<200x4096x128xf32, #tpu.memory_space<hbm>> -> memref<1x128x128xf32, #tpu.memory_space<hbm>>
    %dma_start3A_149 = tpu.memref_squeeze %dma_start3A_148 : memref<1x128x128xf32, #tpu.memory_space<hbm>> -> memref<128x128xf32, #tpu.memory_space<hbm>>
    %dma_start3A_150 = arith.constant 0 : i32
    %dma_start3A_151 = tpu.memref_slice %arg4[%dma_start3A_143, %mul3A_2, %dma_start3A_150] : memref<200x4096x128xf32, #tpu.memory_space<hbm>> -> memref<1x128x128xf32, #tpu.memory_space<hbm>>
    %dma_start3A_152 = tpu.memref_squeeze %dma_start3A_151 : memref<1x128x128xf32, #tpu.memory_space<hbm>> -> memref<128x128xf32, #tpu.memory_space<hbm>>
    %dma_start3A_153 = arith.constant 384 : i32
    %dma_start3A_154 = arith.constant 0 : i32
    %dma_start3A_155 = tpu.memref_slice %arg6[%dma_start3A_153, %dma_start3A_154] : memref<512x128xf32, #tpu.memory_space<vmem>> -> memref<128x128xf32, #tpu.memory_space<vmem>>
    tpu.enqueue_dma source(%dma_start3A_155 : memref<128x128xf32, #tpu.memory_space<vmem>>) target(%dma_start3A_152 : memref<128x128xf32, #tpu.memory_space<hbm>>) target_semaphore(%arg14 : memref<!tpu.dma_semaphore, #tpu.memory_space<semaphore_mem>>)
    %dma_wait3A_156 = arith.constant 0 : i32
    %dma_wait3A_157 = arith.constant 128 : i32
    %dma_wait3A_158 = arith.constant 0 : i32
    %dma_wait3A_159 = tpu.memref_slice %arg6[%dma_wait3A_157, %dma_wait3A_158] : memref<512x128xf32, #tpu.memory_space<vmem>> -> memref<128x128xf32, #tpu.memory_space<vmem>>
    %dma_wait3A_160 = arith.constant 0 : i32
    %dma_wait3A_161 = tpu.memref_slice %arg4[%dma_wait3A_156, %mul3A_2, %dma_wait3A_160] : memref<200x4096x128xf32, #tpu.memory_space<hbm>> -> memref<1x128x128xf32, #tpu.memory_space<hbm>>
    %dma_wait3A_162 = tpu.memref_squeeze %dma_wait3A_161 : memref<1x128x128xf32, #tpu.memory_space<hbm>> -> memref<128x128xf32, #tpu.memory_space<hbm>>
    %dma_wait3A_163 = arith.constant 0 : i32
    %dma_wait3A_164 = tpu.memref_slice %arg4[%dma_wait3A_156, %mul3A_2, %dma_wait3A_163] : memref<200x4096x128xf32, #tpu.memory_space<hbm>> -> memref<1x128x128xf32, #tpu.memory_space<hbm>>
    %dma_wait3A_165 = tpu.memref_squeeze %dma_wait3A_164 : memref<1x128x128xf32, #tpu.memory_space<hbm>> -> memref<128x128xf32, #tpu.memory_space<hbm>>
    %dma_wait3A_166 = arith.constant 128 : i32
    %dma_wait3A_167 = arith.constant 0 : i32
    %dma_wait3A_168 = tpu.memref_slice %arg6[%dma_wait3A_166, %dma_wait3A_167] : memref<512x128xf32, #tpu.memory_space<vmem>> -> memref<128x128xf32, #tpu.memory_space<vmem>>
    tpu.wait_dma2 semaphore(%arg12 : memref<!tpu.dma_semaphore, #tpu.memory_space<semaphore_mem>>) src(%dma_wait3A_168 : memref<128x128xf32, #tpu.memory_space<vmem>>) dst(%dma_wait3A_165 : memref<128x128xf32, #tpu.memory_space<hbm>>)
    %dma_start3A_169 = arith.constant 5 : i32
    %dma_start3A_170 = arith.constant 128 : i32
    %dma_start3A_171 = arith.constant 0 : i32
    %dma_start3A_172 = tpu.memref_slice %arg6[%dma_start3A_170, %dma_start3A_171] : memref<512x128xf32, #tpu.memory_space<vmem>> -> memref<128x128xf32, #tpu.memory_space<vmem>>
    %dma_start3A_173 = arith.constant 0 : i32
    %dma_start3A_174 = tpu.memref_slice %arg5[%dma_start3A_169, %dma_start3A_173] : memref<200x128xi32, #tpu.memory_space<vmem>> -> memref<1x128xi32, #tpu.memory_space<vmem>>
    %dma_start3A_175 = tpu.memref_squeeze %dma_start3A_174 : memref<1x128xi32, #tpu.memory_space<vmem>> -> memref<128xi32, #tpu.memory_space<vmem>>
    %dma_start3A_176 = arith.constant 0 : i32
    %dma_start3A_177 = arith.constant 0 : i32
    %dma_start3A_178 = tpu.memref_slice %arg3[%dma_start3A_176, %dma_start3A_177] : memref<1000000x128xf32, #tpu.memory_space<hbm>> -> memref<1000000x128xf32, #tpu.memory_space<hbm>>
    tpu.enqueue_indirect_dma source(%dma_start3A_178 : memref<1000000x128xf32, #tpu.memory_space<hbm>>) target(%dma_start3A_172 : memref<128x128xf32, #tpu.memory_space<vmem>>) offsets(%dma_start3A_175 : memref<128xi32, #tpu.memory_space<vmem>>) semaphore(%arg8 : memref<!tpu.dma_semaphore, #tpu.memory_space<semaphore_mem>>)
    %scan3A = arith.constant 0 : i32
    %scan3A_179 = arith.constant 1 : i32
    %scan3A_180 = arith.constant 48 : i32
    %scan3A_181 = arith.addi %scan3A_179, %scan3A_180 : i32
    %scan3A_182 = arith.constant 1 : i32
    scf.for %scan3A_374 = %scan3A_179 to %scan3A_181 step %scan3A_182  : i32 {
      %mul3A_375 = arith.constant 4 : i32
      %mul3A_376 = arith.muli %scan3A_374, %mul3A_375 : i32
      %add3A_377 = arith.constant 0 : i32
      %add3A_378 = arith.addi %mul3A_376, %add3A_377 : i32
      %dma_wait3A_379 = arith.constant 0 : i32
      %dma_wait3A_380 = arith.constant 0 : i32
      %dma_wait3A_381 = arith.constant 0 : i32
      %dma_wait3A_382 = tpu.memref_slice %arg6[%dma_wait3A_380, %dma_wait3A_381] : memref<512x128xf32, #tpu.memory_space<vmem>> -> memref<128x128xf32, #tpu.memory_space<vmem>>
      %dma_wait3A_383 = arith.constant 0 : i32
      %dma_wait3A_384 = tpu.memref_slice %arg5[%dma_wait3A_379, %dma_wait3A_383] : memref<200x128xi32, #tpu.memory_space<vmem>> -> memref<1x128xi32, #tpu.memory_space<vmem>>
      %dma_wait3A_385 = tpu.memref_squeeze %dma_wait3A_384 : memref<1x128xi32, #tpu.memory_space<vmem>> -> memref<128xi32, #tpu.memory_space<vmem>>
      %dma_wait3A_386 = arith.constant 0 : i32
      %dma_wait3A_387 = arith.constant 0 : i32
      %dma_wait3A_388 = tpu.memref_slice %arg3[%dma_wait3A_386, %dma_wait3A_387] : memref<1000000x128xf32, #tpu.memory_space<hbm>> -> memref<1000000x128xf32, #tpu.memory_space<hbm>>
      tpu.wait_indirect_dma semaphore(%arg7 : memref<!tpu.dma_semaphore, #tpu.memory_space<semaphore_mem>>) src(%dma_wait3A_388 : memref<1000000x128xf32, #tpu.memory_space<hbm>>) dst(%dma_wait3A_382 : memref<128x128xf32, #tpu.memory_space<vmem>>)
      %dma_start3A_389 = arith.constant 0 : i32
      %dma_start3A_390 = arith.constant 0 : i32
      %dma_start3A_391 = tpu.memref_slice %arg6[%dma_start3A_389, %dma_start3A_390] : memref<512x128xf32, #tpu.memory_space<vmem>> -> memref<128x128xf32, #tpu.memory_space<vmem>>
      %dma_start3A_392 = arith.constant 0 : i32
      %dma_start3A_393 = tpu.memref_slice %arg4[%add3A_378, %mul3A_2, %dma_start3A_392] : memref<200x4096x128xf32, #tpu.memory_space<hbm>> -> memref<1x128x128xf32, #tpu.memory_space<hbm>>
      %dma_start3A_394 = tpu.memref_squeeze %dma_start3A_393 : memref<1x128x128xf32, #tpu.memory_space<hbm>> -> memref<128x128xf32, #tpu.memory_space<hbm>>
      %dma_start3A_395 = arith.constant 0 : i32
      %dma_start3A_396 = tpu.memref_slice %arg4[%add3A_378, %mul3A_2, %dma_start3A_395] : memref<200x4096x128xf32, #tpu.memory_space<hbm>> -> memref<1x128x128xf32, #tpu.memory_space<hbm>>
      %dma_start3A_397 = tpu.memref_squeeze %dma_start3A_396 : memref<1x128x128xf32, #tpu.memory_space<hbm>> -> memref<128x128xf32, #tpu.memory_space<hbm>>
      %dma_start3A_398 = arith.constant 0 : i32
      %dma_start3A_399 = arith.constant 0 : i32
      %dma_start3A_400 = tpu.memref_slice %arg6[%dma_start3A_398, %dma_start3A_399] : memref<512x128xf32, #tpu.memory_space<vmem>> -> memref<128x128xf32, #tpu.memory_space<vmem>>
      tpu.enqueue_dma source(%dma_start3A_400 : memref<128x128xf32, #tpu.memory_space<vmem>>) target(%dma_start3A_397 : memref<128x128xf32, #tpu.memory_space<hbm>>) target_semaphore(%arg11 : memref<!tpu.dma_semaphore, #tpu.memory_space<semaphore_mem>>)
      %dma_wait3A_401 = arith.constant 0 : i32
      %dma_wait3A_402 = arith.constant 256 : i32
      %dma_wait3A_403 = arith.constant 0 : i32
      %dma_wait3A_404 = tpu.memref_slice %arg6[%dma_wait3A_402, %dma_wait3A_403] : memref<512x128xf32, #tpu.memory_space<vmem>> -> memref<128x128xf32, #tpu.memory_space<vmem>>
      %dma_wait3A_405 = arith.constant 0 : i32
      %dma_wait3A_406 = tpu.memref_slice %arg4[%dma_wait3A_401, %mul3A_2, %dma_wait3A_405] : memref<200x4096x128xf32, #tpu.memory_space<hbm>> -> memref<1x128x128xf32, #tpu.memory_space<hbm>>
      %dma_wait3A_407 = tpu.memref_squeeze %dma_wait3A_406 : memref<1x128x128xf32, #tpu.memory_space<hbm>> -> memref<128x128xf32, #tpu.memory_space<hbm>>
      %dma_wait3A_408 = arith.constant 0 : i32
      %dma_wait3A_409 = tpu.memref_slice %arg4[%dma_wait3A_401, %mul3A_2, %dma_wait3A_408] : memref<200x4096x128xf32, #tpu.memory_space<hbm>> -> memref<1x128x128xf32, #tpu.memory_space<hbm>>
      %dma_wait3A_410 = tpu.memref_squeeze %dma_wait3A_409 : memref<1x128x128xf32, #tpu.memory_space<hbm>> -> memref<128x128xf32, #tpu.memory_space<hbm>>
      %dma_wait3A_411 = arith.constant 256 : i32
      %dma_wait3A_412 = arith.constant 0 : i32
      %dma_wait3A_413 = tpu.memref_slice %arg6[%dma_wait3A_411, %dma_wait3A_412] : memref<512x128xf32, #tpu.memory_space<vmem>> -> memref<128x128xf32, #tpu.memory_space<vmem>>
      tpu.wait_dma2 semaphore(%arg13 : memref<!tpu.dma_semaphore, #tpu.memory_space<semaphore_mem>>) src(%dma_wait3A_413 : memref<128x128xf32, #tpu.memory_space<vmem>>) dst(%dma_wait3A_410 : memref<128x128xf32, #tpu.memory_space<hbm>>)
      %add3A_414 = arith.constant 2 : i32
      %add3A_415 = arith.addi %add3A_378, %add3A_414 : i32
      %dma_start3A_416 = arith.constant 256 : i32
      %dma_start3A_417 = arith.constant 0 : i32
      %dma_start3A_418 = tpu.memref_slice %arg6[%dma_start3A_416, %dma_start3A_417] : memref<512x128xf32, #tpu.memory_space<vmem>> -> memref<128x128xf32, #tpu.memory_space<vmem>>
      %dma_start3A_419 = arith.constant 0 : i32
      %dma_start3A_420 = tpu.memref_slice %arg5[%add3A_415, %dma_start3A_419] : memref<200x128xi32, #tpu.memory_space<vmem>> -> memref<1x128xi32, #tpu.memory_space<vmem>>
      %dma_start3A_421 = tpu.memref_squeeze %dma_start3A_420 : memref<1x128xi32, #tpu.memory_space<vmem>> -> memref<128xi32, #tpu.memory_space<vmem>>
      %dma_start3A_422 = arith.constant 0 : i32
      %dma_start3A_423 = arith.constant 0 : i32
      %dma_start3A_424 = tpu.memref_slice %arg3[%dma_start3A_422, %dma_start3A_423] : memref<1000000x128xf32, #tpu.memory_space<hbm>> -> memref<1000000x128xf32, #tpu.memory_space<hbm>>
      tpu.enqueue_indirect_dma source(%dma_start3A_424 : memref<1000000x128xf32, #tpu.memory_space<hbm>>) target(%dma_start3A_418 : memref<128x128xf32, #tpu.memory_space<vmem>>) offsets(%dma_start3A_421 : memref<128xi32, #tpu.memory_space<vmem>>) semaphore(%arg9 : memref<!tpu.dma_semaphore, #tpu.memory_space<semaphore_mem>>)
      %add3A_425 = arith.constant 1 : i32
      %add3A_426 = arith.addi %mul3A_376, %add3A_425 : i32
      %dma_wait3A_427 = arith.constant 0 : i32
      %dma_wait3A_428 = arith.constant 128 : i32
      %dma_wait3A_429 = arith.constant 0 : i32
      %dma_wait3A_430 = tpu.memref_slice %arg6[%dma_wait3A_428, %dma_wait3A_429] : memref<512x128xf32, #tpu.memory_space<vmem>> -> memref<128x128xf32, #tpu.memory_space<vmem>>
      %dma_wait3A_431 = arith.constant 0 : i32
      %dma_wait3A_432 = tpu.memref_slice %arg5[%dma_wait3A_427, %dma_wait3A_431] : memref<200x128xi32, #tpu.memory_space<vmem>> -> memref<1x128xi32, #tpu.memory_space<vmem>>
      %dma_wait3A_433 = tpu.memref_squeeze %dma_wait3A_432 : memref<1x128xi32, #tpu.memory_space<vmem>> -> memref<128xi32, #tpu.memory_space<vmem>>
      %dma_wait3A_434 = arith.constant 0 : i32
      %dma_wait3A_435 = arith.constant 0 : i32
      %dma_wait3A_436 = tpu.memref_slice %arg3[%dma_wait3A_434, %dma_wait3A_435] : memref<1000000x128xf32, #tpu.memory_space<hbm>> -> memref<1000000x128xf32, #tpu.memory_space<hbm>>
      tpu.wait_indirect_dma semaphore(%arg8 : memref<!tpu.dma_semaphore, #tpu.memory_space<semaphore_mem>>) src(%dma_wait3A_436 : memref<1000000x128xf32, #tpu.memory_space<hbm>>) dst(%dma_wait3A_430 : memref<128x128xf32, #tpu.memory_space<vmem>>)
      %dma_start3A_437 = arith.constant 128 : i32
      %dma_start3A_438 = arith.constant 0 : i32
      %dma_start3A_439 = tpu.memref_slice %arg6[%dma_start3A_437, %dma_start3A_438] : memref<512x128xf32, #tpu.memory_space<vmem>> -> memref<128x128xf32, #tpu.memory_space<vmem>>
      %dma_start3A_440 = arith.constant 0 : i32
      %dma_start3A_441 = tpu.memref_slice %arg4[%add3A_426, %mul3A_2, %dma_start3A_440] : memref<200x4096x128xf32, #tpu.memory_space<hbm>> -> memref<1x128x128xf32, #tpu.memory_space<hbm>>
      %dma_start3A_442 = tpu.memref_squeeze %dma_start3A_441 : memref<1x128x128xf32, #tpu.memory_space<hbm>> -> memref<128x128xf32, #tpu.memory_space<hbm>>
      %dma_start3A_443 = arith.constant 0 : i32
      %dma_start3A_444 = tpu.memref_slice %arg4[%add3A_426, %mul3A_2, %dma_start3A_443] : memref<200x4096x128xf32, #tpu.memory_space<hbm>> -> memref<1x128x128xf32, #tpu.memory_space<hbm>>
      %dma_start3A_445 = tpu.memref_squeeze %dma_start3A_444 : memref<1x128x128xf32, #tpu.memory_space<hbm>> -> memref<128x128xf32, #tpu.memory_space<hbm>>
      %dma_start3A_446 = arith.constant 128 : i32
      %dma_start3A_447 = arith.constant 0 : i32
      %dma_start3A_448 = tpu.memref_slice %arg6[%dma_start3A_446, %dma_start3A_447] : memref<512x128xf32, #tpu.memory_space<vmem>> -> memref<128x128xf32, #tpu.memory_space<vmem>>
      tpu.enqueue_dma source(%dma_start3A_448 : memref<128x128xf32, #tpu.memory_space<vmem>>) target(%dma_start3A_445 : memref<128x128xf32, #tpu.memory_space<hbm>>) target_semaphore(%arg12 : memref<!tpu.dma_semaphore, #tpu.memory_space<semaphore_mem>>)
      %dma_wait3A_449 = arith.constant 0 : i32
      %dma_wait3A_450 = arith.constant 384 : i32
      %dma_wait3A_451 = arith.constant 0 : i32
      %dma_wait3A_452 = tpu.memref_slice %arg6[%dma_wait3A_450, %dma_wait3A_451] : memref<512x128xf32, #tpu.memory_space<vmem>> -> memref<128x128xf32, #tpu.memory_space<vmem>>
      %dma_wait3A_453 = arith.constant 0 : i32
      %dma_wait3A_454 = tpu.memref_slice %arg4[%dma_wait3A_449, %mul3A_2, %dma_wait3A_453] : memref<200x4096x128xf32, #tpu.memory_space<hbm>> -> memref<1x128x128xf32, #tpu.memory_space<hbm>>
      %dma_wait3A_455 = tpu.memref_squeeze %dma_wait3A_454 : memref<1x128x128xf32, #tpu.memory_space<hbm>> -> memref<128x128xf32, #tpu.memory_space<hbm>>
      %dma_wait3A_456 = arith.constant 0 : i32
      %dma_wait3A_457 = tpu.memref_slice %arg4[%dma_wait3A_449, %mul3A_2, %dma_wait3A_456] : memref<200x4096x128xf32, #tpu.memory_space<hbm>> -> memref<1x128x128xf32, #tpu.memory_space<hbm>>
      %dma_wait3A_458 = tpu.memref_squeeze %dma_wait3A_457 : memref<1x128x128xf32, #tpu.memory_space<hbm>> -> memref<128x128xf32, #tpu.memory_space<hbm>>
      %dma_wait3A_459 = arith.constant 384 : i32
      %dma_wait3A_460 = arith.constant 0 : i32
      %dma_wait3A_461 = tpu.memref_slice %arg6[%dma_wait3A_459, %dma_wait3A_460] : memref<512x128xf32, #tpu.memory_space<vmem>> -> memref<128x128xf32, #tpu.memory_space<vmem>>
      tpu.wait_dma2 semaphore(%arg14 : memref<!tpu.dma_semaphore, #tpu.memory_space<semaphore_mem>>) src(%dma_wait3A_461 : memref<128x128xf32, #tpu.memory_space<vmem>>) dst(%dma_wait3A_458 : memref<128x128xf32, #tpu.memory_space<hbm>>)
      %add3A_462 = arith.constant 2 : i32
      %add3A_463 = arith.addi %add3A_426, %add3A_462 : i32
      %dma_start3A_464 = arith.constant 384 : i32
      %dma_start3A_465 = arith.constant 0 : i32
      %dma_start3A_466 = tpu.memref_slice %arg6[%dma_start3A_464, %dma_start3A_465] : memref<512x128xf32, #tpu.memory_space<vmem>> -> memref<128x128xf32, #tpu.memory_space<vmem>>
      %dma_start3A_467 = arith.constant 0 : i32
      %dma_start3A_468 = tpu.memref_slice %arg5[%add3A_463, %dma_start3A_467] : memref<200x128xi32, #tpu.memory_space<vmem>> -> memref<1x128xi32, #tpu.memory_space<vmem>>
      %dma_start3A_469 = tpu.memref_squeeze %dma_start3A_468 : memref<1x128xi32, #tpu.memory_space<vmem>> -> memref<128xi32, #tpu.memory_space<vmem>>
      %dma_start3A_470 = arith.constant 0 : i32
      %dma_start3A_471 = arith.constant 0 : i32
      %dma_start3A_472 = tpu.memref_slice %arg3[%dma_start3A_470, %dma_start3A_471] : memref<1000000x128xf32, #tpu.memory_space<hbm>> -> memref<1000000x128xf32, #tpu.memory_space<hbm>>
      tpu.enqueue_indirect_dma source(%dma_start3A_472 : memref<1000000x128xf32, #tpu.memory_space<hbm>>) target(%dma_start3A_466 : memref<128x128xf32, #tpu.memory_space<vmem>>) offsets(%dma_start3A_469 : memref<128xi32, #tpu.memory_space<vmem>>) semaphore(%arg10 : memref<!tpu.dma_semaphore, #tpu.memory_space<semaphore_mem>>)
      %add3A_473 = arith.constant 2 : i32
      %add3A_474 = arith.addi %mul3A_376, %add3A_473 : i32
      %dma_wait3A_475 = arith.constant 0 : i32
      %dma_wait3A_476 = arith.constant 256 : i32
      %dma_wait3A_477 = arith.constant 0 : i32
      %dma_wait3A_478 = tpu.memref_slice %arg6[%dma_wait3A_476, %dma_wait3A_477] : memref<512x128xf32, #tpu.memory_space<vmem>> -> memref<128x128xf32, #tpu.memory_space<vmem>>
      %dma_wait3A_479 = arith.constant 0 : i32
      %dma_wait3A_480 = tpu.memref_slice %arg5[%dma_wait3A_475, %dma_wait3A_479] : memref<200x128xi32, #tpu.memory_space<vmem>> -> memref<1x128xi32, #tpu.memory_space<vmem>>
      %dma_wait3A_481 = tpu.memref_squeeze %dma_wait3A_480 : memref<1x128xi32, #tpu.memory_space<vmem>> -> memref<128xi32, #tpu.memory_space<vmem>>
      %dma_wait3A_482 = arith.constant 0 : i32
      %dma_wait3A_483 = arith.constant 0 : i32
      %dma_wait3A_484 = tpu.memref_slice %arg3[%dma_wait3A_482, %dma_wait3A_483] : memref<1000000x128xf32, #tpu.memory_space<hbm>> -> memref<1000000x128xf32, #tpu.memory_space<hbm>>
      tpu.wait_indirect_dma semaphore(%arg9 : memref<!tpu.dma_semaphore, #tpu.memory_space<semaphore_mem>>) src(%dma_wait3A_484 : memref<1000000x128xf32, #tpu.memory_space<hbm>>) dst(%dma_wait3A_478 : memref<128x128xf32, #tpu.memory_space<vmem>>)
      %dma_start3A_485 = arith.constant 256 : i32
      %dma_start3A_486 = arith.constant 0 : i32
      %dma_start3A_487 = tpu.memref_slice %arg6[%dma_start3A_485, %dma_start3A_486] : memref<512x128xf32, #tpu.memory_space<vmem>> -> memref<128x128xf32, #tpu.memory_space<vmem>>
      %dma_start3A_488 = arith.constant 0 : i32
      %dma_start3A_489 = tpu.memref_slice %arg4[%add3A_474, %mul3A_2, %dma_start3A_488] : memref<200x4096x128xf32, #tpu.memory_space<hbm>> -> memref<1x128x128xf32, #tpu.memory_space<hbm>>
      %dma_start3A_490 = tpu.memref_squeeze %dma_start3A_489 : memref<1x128x128xf32, #tpu.memory_space<hbm>> -> memref<128x128xf32, #tpu.memory_space<hbm>>
      %dma_start3A_491 = arith.constant 0 : i32
      %dma_start3A_492 = tpu.memref_slice %arg4[%add3A_474, %mul3A_2, %dma_start3A_491] : memref<200x4096x128xf32, #tpu.memory_space<hbm>> -> memref<1x128x128xf32, #tpu.memory_space<hbm>>
      %dma_start3A_493 = tpu.memref_squeeze %dma_start3A_492 : memref<1x128x128xf32, #tpu.memory_space<hbm>> -> memref<128x128xf32, #tpu.memory_space<hbm>>
      %dma_start3A_494 = arith.constant 256 : i32
      %dma_start3A_495 = arith.constant 0 : i32
      %dma_start3A_496 = tpu.memref_slice %arg6[%dma_start3A_494, %dma_start3A_495] : memref<512x128xf32, #tpu.memory_space<vmem>> -> memref<128x128xf32, #tpu.memory_space<vmem>>
      tpu.enqueue_dma source(%dma_start3A_496 : memref<128x128xf32, #tpu.memory_space<vmem>>) target(%dma_start3A_493 : memref<128x128xf32, #tpu.memory_space<hbm>>) target_semaphore(%arg13 : memref<!tpu.dma_semaphore, #tpu.memory_space<semaphore_mem>>)
      %dma_wait3A_497 = arith.constant 0 : i32
      %dma_wait3A_498 = arith.constant 0 : i32
      %dma_wait3A_499 = arith.constant 0 : i32
      %dma_wait3A_500 = tpu.memref_slice %arg6[%dma_wait3A_498, %dma_wait3A_499] : memref<512x128xf32, #tpu.memory_space<vmem>> -> memref<128x128xf32, #tpu.memory_space<vmem>>
      %dma_wait3A_501 = arith.constant 0 : i32
      %dma_wait3A_502 = tpu.memref_slice %arg4[%dma_wait3A_497, %mul3A_2, %dma_wait3A_501] : memref<200x4096x128xf32, #tpu.memory_space<hbm>> -> memref<1x128x128xf32, #tpu.memory_space<hbm>>
      %dma_wait3A_503 = tpu.memref_squeeze %dma_wait3A_502 : memref<1x128x128xf32, #tpu.memory_space<hbm>> -> memref<128x128xf32, #tpu.memory_space<hbm>>
      %dma_wait3A_504 = arith.constant 0 : i32
      %dma_wait3A_505 = tpu.memref_slice %arg4[%dma_wait3A_497, %mul3A_2, %dma_wait3A_504] : memref<200x4096x128xf32, #tpu.memory_space<hbm>> -> memref<1x128x128xf32, #tpu.memory_space<hbm>>
      %dma_wait3A_506 = tpu.memref_squeeze %dma_wait3A_505 : memref<1x128x128xf32, #tpu.memory_space<hbm>> -> memref<128x128xf32, #tpu.memory_space<hbm>>
      %dma_wait3A_507 = arith.constant 0 : i32
      %dma_wait3A_508 = arith.constant 0 : i32
      %dma_wait3A_509 = tpu.memref_slice %arg6[%dma_wait3A_507, %dma_wait3A_508] : memref<512x128xf32, #tpu.memory_space<vmem>> -> memref<128x128xf32, #tpu.memory_space<vmem>>
      tpu.wait_dma2 semaphore(%arg11 : memref<!tpu.dma_semaphore, #tpu.memory_space<semaphore_mem>>) src(%dma_wait3A_509 : memref<128x128xf32, #tpu.memory_space<vmem>>) dst(%dma_wait3A_506 : memref<128x128xf32, #tpu.memory_space<hbm>>)
      %add3A_510 = arith.constant 2 : i32
      %add3A_511 = arith.addi %add3A_474, %add3A_510 : i32
      %dma_start3A_512 = arith.constant 0 : i32
      %dma_start3A_513 = arith.constant 0 : i32
      %dma_start3A_514 = tpu.memref_slice %arg6[%dma_start3A_512, %dma_start3A_513] : memref<512x128xf32, #tpu.memory_space<vmem>> -> memref<128x128xf32, #tpu.memory_space<vmem>>
      %dma_start3A_515 = arith.constant 0 : i32
      %dma_start3A_516 = tpu.memref_slice %arg5[%add3A_511, %dma_start3A_515] : memref<200x128xi32, #tpu.memory_space<vmem>> -> memref<1x128xi32, #tpu.memory_space<vmem>>
      %dma_start3A_517 = tpu.memref_squeeze %dma_start3A_516 : memref<1x128xi32, #tpu.memory_space<vmem>> -> memref<128xi32, #tpu.memory_space<vmem>>
      %dma_start3A_518 = arith.constant 0 : i32
      %dma_start3A_519 = arith.constant 0 : i32
      %dma_start3A_520 = tpu.memref_slice %arg3[%dma_start3A_518, %dma_start3A_519] : memref<1000000x128xf32, #tpu.memory_space<hbm>> -> memref<1000000x128xf32, #tpu.memory_space<hbm>>
      tpu.enqueue_indirect_dma source(%dma_start3A_520 : memref<1000000x128xf32, #tpu.memory_space<hbm>>) target(%dma_start3A_514 : memref<128x128xf32, #tpu.memory_space<vmem>>) offsets(%dma_start3A_517 : memref<128xi32, #tpu.memory_space<vmem>>) semaphore(%arg7 : memref<!tpu.dma_semaphore, #tpu.memory_space<semaphore_mem>>)
      %add3A_521 = arith.constant 3 : i32
      %add3A_522 = arith.addi %mul3A_376, %add3A_521 : i32
      %dma_wait3A_523 = arith.constant 0 : i32
      %dma_wait3A_524 = arith.constant 384 : i32
      %dma_wait3A_525 = arith.constant 0 : i32
      %dma_wait3A_526 = tpu.memref_slice %arg6[%dma_wait3A_524, %dma_wait3A_525] : memref<512x128xf32, #tpu.memory_space<vmem>> -> memref<128x128xf32, #tpu.memory_space<vmem>>
      %dma_wait3A_527 = arith.constant 0 : i32
      %dma_wait3A_528 = tpu.memref_slice %arg5[%dma_wait3A_523, %dma_wait3A_527] : memref<200x128xi32, #tpu.memory_space<vmem>> -> memref<1x128xi32, #tpu.memory_space<vmem>>
      %dma_wait3A_529 = tpu.memref_squeeze %dma_wait3A_528 : memref<1x128xi32, #tpu.memory_space<vmem>> -> memref<128xi32, #tpu.memory_space<vmem>>
      %dma_wait3A_530 = arith.constant 0 : i32
      %dma_wait3A_531 = arith.constant 0 : i32
      %dma_wait3A_532 = tpu.memref_slice %arg3[%dma_wait3A_530, %dma_wait3A_531] : memref<1000000x128xf32, #tpu.memory_space<hbm>> -> memref<1000000x128xf32, #tpu.memory_space<hbm>>
      tpu.wait_indirect_dma semaphore(%arg10 : memref<!tpu.dma_semaphore, #tpu.memory_space<semaphore_mem>>) src(%dma_wait3A_532 : memref<1000000x128xf32, #tpu.memory_space<hbm>>) dst(%dma_wait3A_526 : memref<128x128xf32, #tpu.memory_space<vmem>>)
      %dma_start3A_533 = arith.constant 384 : i32
      %dma_start3A_534 = arith.constant 0 : i32
      %dma_start3A_535 = tpu.memref_slice %arg6[%dma_start3A_533, %dma_start3A_534] : memref<512x128xf32, #tpu.memory_space<vmem>> -> memref<128x128xf32, #tpu.memory_space<vmem>>
      %dma_start3A_536 = arith.constant 0 : i32
      %dma_start3A_537 = tpu.memref_slice %arg4[%add3A_522, %mul3A_2, %dma_start3A_536] : memref<200x4096x128xf32, #tpu.memory_space<hbm>> -> memref<1x128x128xf32, #tpu.memory_space<hbm>>
      %dma_start3A_538 = tpu.memref_squeeze %dma_start3A_537 : memref<1x128x128xf32, #tpu.memory_space<hbm>> -> memref<128x128xf32, #tpu.memory_space<hbm>>
      %dma_start3A_539 = arith.constant 0 : i32
      %dma_start3A_540 = tpu.memref_slice %arg4[%add3A_522, %mul3A_2, %dma_start3A_539] : memref<200x4096x128xf32, #tpu.memory_space<hbm>> -> memref<1x128x128xf32, #tpu.memory_space<hbm>>
      %dma_start3A_541 = tpu.memref_squeeze %dma_start3A_540 : memref<1x128x128xf32, #tpu.memory_space<hbm>> -> memref<128x128xf32, #tpu.memory_space<hbm>>
      %dma_start3A_542 = arith.constant 384 : i32
      %dma_start3A_543 = arith.constant 0 : i32
      %dma_start3A_544 = tpu.memref_slice %arg6[%dma_start3A_542, %dma_start3A_543] : memref<512x128xf32, #tpu.memory_space<vmem>> -> memref<128x128xf32, #tpu.memory_space<vmem>>
      tpu.enqueue_dma source(%dma_start3A_544 : memref<128x128xf32, #tpu.memory_space<vmem>>) target(%dma_start3A_541 : memref<128x128xf32, #tpu.memory_space<hbm>>) target_semaphore(%arg14 : memref<!tpu.dma_semaphore, #tpu.memory_space<semaphore_mem>>)
      %dma_wait3A_545 = arith.constant 0 : i32
      %dma_wait3A_546 = arith.constant 128 : i32
      %dma_wait3A_547 = arith.constant 0 : i32
      %dma_wait3A_548 = tpu.memref_slice %arg6[%dma_wait3A_546, %dma_wait3A_547] : memref<512x128xf32, #tpu.memory_space<vmem>> -> memref<128x128xf32, #tpu.memory_space<vmem>>
      %dma_wait3A_549 = arith.constant 0 : i32
      %dma_wait3A_550 = tpu.memref_slice %arg4[%dma_wait3A_545, %mul3A_2, %dma_wait3A_549] : memref<200x4096x128xf32, #tpu.memory_space<hbm>> -> memref<1x128x128xf32, #tpu.memory_space<hbm>>
      %dma_wait3A_551 = tpu.memref_squeeze %dma_wait3A_550 : memref<1x128x128xf32, #tpu.memory_space<hbm>> -> memref<128x128xf32, #tpu.memory_space<hbm>>
      %dma_wait3A_552 = arith.constant 0 : i32
      %dma_wait3A_553 = tpu.memref_slice %arg4[%dma_wait3A_545, %mul3A_2, %dma_wait3A_552] : memref<200x4096x128xf32, #tpu.memory_space<hbm>> -> memref<1x128x128xf32, #tpu.memory_space<hbm>>
      %dma_wait3A_554 = tpu.memref_squeeze %dma_wait3A_553 : memref<1x128x128xf32, #tpu.memory_space<hbm>> -> memref<128x128xf32, #tpu.memory_space<hbm>>
      %dma_wait3A_555 = arith.constant 128 : i32
      %dma_wait3A_556 = arith.constant 0 : i32
      %dma_wait3A_557 = tpu.memref_slice %arg6[%dma_wait3A_555, %dma_wait3A_556] : memref<512x128xf32, #tpu.memory_space<vmem>> -> memref<128x128xf32, #tpu.memory_space<vmem>>
      tpu.wait_dma2 semaphore(%arg12 : memref<!tpu.dma_semaphore, #tpu.memory_space<semaphore_mem>>) src(%dma_wait3A_557 : memref<128x128xf32, #tpu.memory_space<vmem>>) dst(%dma_wait3A_554 : memref<128x128xf32, #tpu.memory_space<hbm>>)
      %add3A_558 = arith.constant 2 : i32
      %add3A_559 = arith.addi %add3A_522, %add3A_558 : i32
      %dma_start3A_560 = arith.constant 128 : i32
      %dma_start3A_561 = arith.constant 0 : i32
      %dma_start3A_562 = tpu.memref_slice %arg6[%dma_start3A_560, %dma_start3A_561] : memref<512x128xf32, #tpu.memory_space<vmem>> -> memref<128x128xf32, #tpu.memory_space<vmem>>
      %dma_start3A_563 = arith.constant 0 : i32
      %dma_start3A_564 = tpu.memref_slice %arg5[%add3A_559, %dma_start3A_563] : memref<200x128xi32, #tpu.memory_space<vmem>> -> memref<1x128xi32, #tpu.memory_space<vmem>>
      %dma_start3A_565 = tpu.memref_squeeze %dma_start3A_564 : memref<1x128xi32, #tpu.memory_space<vmem>> -> memref<128xi32, #tpu.memory_space<vmem>>
      %dma_start3A_566 = arith.constant 0 : i32
      %dma_start3A_567 = arith.constant 0 : i32
      %dma_start3A_568 = tpu.memref_slice %arg3[%dma_start3A_566, %dma_start3A_567] : memref<1000000x128xf32, #tpu.memory_space<hbm>> -> memref<1000000x128xf32, #tpu.memory_space<hbm>>
      tpu.enqueue_indirect_dma source(%dma_start3A_568 : memref<1000000x128xf32, #tpu.memory_space<hbm>>) target(%dma_start3A_562 : memref<128x128xf32, #tpu.memory_space<vmem>>) offsets(%dma_start3A_565 : memref<128xi32, #tpu.memory_space<vmem>>) semaphore(%arg8 : memref<!tpu.dma_semaphore, #tpu.memory_space<semaphore_mem>>)
    }
    %scan3A_183 = arith.constant 48 : i32
    %dma_wait3A_184 = arith.constant 0 : i32
    %dma_wait3A_185 = arith.constant 0 : i32
    %dma_wait3A_186 = arith.constant 0 : i32
    %dma_wait3A_187 = tpu.memref_slice %arg6[%dma_wait3A_185, %dma_wait3A_186] : memref<512x128xf32, #tpu.memory_space<vmem>> -> memref<128x128xf32, #tpu.memory_space<vmem>>
    %dma_wait3A_188 = arith.constant 0 : i32
    %dma_wait3A_189 = tpu.memref_slice %arg5[%dma_wait3A_184, %dma_wait3A_188] : memref<200x128xi32, #tpu.memory_space<vmem>> -> memref<1x128xi32, #tpu.memory_space<vmem>>
    %dma_wait3A_190 = tpu.memref_squeeze %dma_wait3A_189 : memref<1x128xi32, #tpu.memory_space<vmem>> -> memref<128xi32, #tpu.memory_space<vmem>>
    %dma_wait3A_191 = arith.constant 0 : i32
    %dma_wait3A_192 = arith.constant 0 : i32
    %dma_wait3A_193 = tpu.memref_slice %arg3[%dma_wait3A_191, %dma_wait3A_192] : memref<1000000x128xf32, #tpu.memory_space<hbm>> -> memref<1000000x128xf32, #tpu.memory_space<hbm>>
    tpu.wait_indirect_dma semaphore(%arg7 : memref<!tpu.dma_semaphore, #tpu.memory_space<semaphore_mem>>) src(%dma_wait3A_193 : memref<1000000x128xf32, #tpu.memory_space<hbm>>) dst(%dma_wait3A_187 : memref<128x128xf32, #tpu.memory_space<vmem>>)
    %dma_start3A_194 = arith.constant 196 : i32
    %dma_start3A_195 = arith.constant 0 : i32
    %dma_start3A_196 = arith.constant 0 : i32
    %dma_start3A_197 = tpu.memref_slice %arg6[%dma_start3A_195, %dma_start3A_196] : memref<512x128xf32, #tpu.memory_space<vmem>> -> memref<128x128xf32, #tpu.memory_space<vmem>>
    %dma_start3A_198 = arith.constant 0 : i32
    %dma_start3A_199 = tpu.memref_slice %arg4[%dma_start3A_194, %mul3A_2, %dma_start3A_198] : memref<200x4096x128xf32, #tpu.memory_space<hbm>> -> memref<1x128x128xf32, #tpu.memory_space<hbm>>
    %dma_start3A_200 = tpu.memref_squeeze %dma_start3A_199 : memref<1x128x128xf32, #tpu.memory_space<hbm>> -> memref<128x128xf32, #tpu.memory_space<hbm>>
    %dma_start3A_201 = arith.constant 0 : i32
    %dma_start3A_202 = tpu.memref_slice %arg4[%dma_start3A_194, %mul3A_2, %dma_start3A_201] : memref<200x4096x128xf32, #tpu.memory_space<hbm>> -> memref<1x128x128xf32, #tpu.memory_space<hbm>>
    %dma_start3A_203 = tpu.memref_squeeze %dma_start3A_202 : memref<1x128x128xf32, #tpu.memory_space<hbm>> -> memref<128x128xf32, #tpu.memory_space<hbm>>
    %dma_start3A_204 = arith.constant 0 : i32
    %dma_start3A_205 = arith.constant 0 : i32
    %dma_start3A_206 = tpu.memref_slice %arg6[%dma_start3A_204, %dma_start3A_205] : memref<512x128xf32, #tpu.memory_space<vmem>> -> memref<128x128xf32, #tpu.memory_space<vmem>>
    tpu.enqueue_dma source(%dma_start3A_206 : memref<128x128xf32, #tpu.memory_space<vmem>>) target(%dma_start3A_203 : memref<128x128xf32, #tpu.memory_space<hbm>>) target_semaphore(%arg11 : memref<!tpu.dma_semaphore, #tpu.memory_space<semaphore_mem>>)
    %dma_wait3A_207 = arith.constant 0 : i32
    %dma_wait3A_208 = arith.constant 256 : i32
    %dma_wait3A_209 = arith.constant 0 : i32
    %dma_wait3A_210 = tpu.memref_slice %arg6[%dma_wait3A_208, %dma_wait3A_209] : memref<512x128xf32, #tpu.memory_space<vmem>> -> memref<128x128xf32, #tpu.memory_space<vmem>>
    %dma_wait3A_211 = arith.constant 0 : i32
    %dma_wait3A_212 = tpu.memref_slice %arg4[%dma_wait3A_207, %mul3A_2, %dma_wait3A_211] : memref<200x4096x128xf32, #tpu.memory_space<hbm>> -> memref<1x128x128xf32, #tpu.memory_space<hbm>>
    %dma_wait3A_213 = tpu.memref_squeeze %dma_wait3A_212 : memref<1x128x128xf32, #tpu.memory_space<hbm>> -> memref<128x128xf32, #tpu.memory_space<hbm>>
    %dma_wait3A_214 = arith.constant 0 : i32
    %dma_wait3A_215 = tpu.memref_slice %arg4[%dma_wait3A_207, %mul3A_2, %dma_wait3A_214] : memref<200x4096x128xf32, #tpu.memory_space<hbm>> -> memref<1x128x128xf32, #tpu.memory_space<hbm>>
    %dma_wait3A_216 = tpu.memref_squeeze %dma_wait3A_215 : memref<1x128x128xf32, #tpu.memory_space<hbm>> -> memref<128x128xf32, #tpu.memory_space<hbm>>
    %dma_wait3A_217 = arith.constant 256 : i32
    %dma_wait3A_218 = arith.constant 0 : i32
    %dma_wait3A_219 = tpu.memref_slice %arg6[%dma_wait3A_217, %dma_wait3A_218] : memref<512x128xf32, #tpu.memory_space<vmem>> -> memref<128x128xf32, #tpu.memory_space<vmem>>
    tpu.wait_dma2 semaphore(%arg13 : memref<!tpu.dma_semaphore, #tpu.memory_space<semaphore_mem>>) src(%dma_wait3A_219 : memref<128x128xf32, #tpu.memory_space<vmem>>) dst(%dma_wait3A_216 : memref<128x128xf32, #tpu.memory_space<hbm>>)
    %dma_start3A_220 = arith.constant 198 : i32
    %dma_start3A_221 = arith.constant 256 : i32
    %dma_start3A_222 = arith.constant 0 : i32
    %dma_start3A_223 = tpu.memref_slice %arg6[%dma_start3A_221, %dma_start3A_222] : memref<512x128xf32, #tpu.memory_space<vmem>> -> memref<128x128xf32, #tpu.memory_space<vmem>>
    %dma_start3A_224 = arith.constant 0 : i32
    %dma_start3A_225 = tpu.memref_slice %arg5[%dma_start3A_220, %dma_start3A_224] : memref<200x128xi32, #tpu.memory_space<vmem>> -> memref<1x128xi32, #tpu.memory_space<vmem>>
    %dma_start3A_226 = tpu.memref_squeeze %dma_start3A_225 : memref<1x128xi32, #tpu.memory_space<vmem>> -> memref<128xi32, #tpu.memory_space<vmem>>
    %dma_start3A_227 = arith.constant 0 : i32
    %dma_start3A_228 = arith.constant 0 : i32
    %dma_start3A_229 = tpu.memref_slice %arg3[%dma_start3A_227, %dma_start3A_228] : memref<1000000x128xf32, #tpu.memory_space<hbm>> -> memref<1000000x128xf32, #tpu.memory_space<hbm>>
    tpu.enqueue_indirect_dma source(%dma_start3A_229 : memref<1000000x128xf32, #tpu.memory_space<hbm>>) target(%dma_start3A_223 : memref<128x128xf32, #tpu.memory_space<vmem>>) offsets(%dma_start3A_226 : memref<128xi32, #tpu.memory_space<vmem>>) semaphore(%arg9 : memref<!tpu.dma_semaphore, #tpu.memory_space<semaphore_mem>>)
    %dma_wait3A_230 = arith.constant 0 : i32
    %dma_wait3A_231 = arith.constant 128 : i32
    %dma_wait3A_232 = arith.constant 0 : i32
    %dma_wait3A_233 = tpu.memref_slice %arg6[%dma_wait3A_231, %dma_wait3A_232] : memref<512x128xf32, #tpu.memory_space<vmem>> -> memref<128x128xf32, #tpu.memory_space<vmem>>
    %dma_wait3A_234 = arith.constant 0 : i32
    %dma_wait3A_235 = tpu.memref_slice %arg5[%dma_wait3A_230, %dma_wait3A_234] : memref<200x128xi32, #tpu.memory_space<vmem>> -> memref<1x128xi32, #tpu.memory_space<vmem>>
    %dma_wait3A_236 = tpu.memref_squeeze %dma_wait3A_235 : memref<1x128xi32, #tpu.memory_space<vmem>> -> memref<128xi32, #tpu.memory_space<vmem>>
    %dma_wait3A_237 = arith.constant 0 : i32
    %dma_wait3A_238 = arith.constant 0 : i32
    %dma_wait3A_239 = tpu.memref_slice %arg3[%dma_wait3A_237, %dma_wait3A_238] : memref<1000000x128xf32, #tpu.memory_space<hbm>> -> memref<1000000x128xf32, #tpu.memory_space<hbm>>
    tpu.wait_indirect_dma semaphore(%arg8 : memref<!tpu.dma_semaphore, #tpu.memory_space<semaphore_mem>>) src(%dma_wait3A_239 : memref<1000000x128xf32, #tpu.memory_space<hbm>>) dst(%dma_wait3A_233 : memref<128x128xf32, #tpu.memory_space<vmem>>)
    %dma_start3A_240 = arith.constant 197 : i32
    %dma_start3A_241 = arith.constant 128 : i32
    %dma_start3A_242 = arith.constant 0 : i32
    %dma_start3A_243 = tpu.memref_slice %arg6[%dma_start3A_241, %dma_start3A_242] : memref<512x128xf32, #tpu.memory_space<vmem>> -> memref<128x128xf32, #tpu.memory_space<vmem>>
    %dma_start3A_244 = arith.constant 0 : i32
    %dma_start3A_245 = tpu.memref_slice %arg4[%dma_start3A_240, %mul3A_2, %dma_start3A_244] : memref<200x4096x128xf32, #tpu.memory_space<hbm>> -> memref<1x128x128xf32, #tpu.memory_space<hbm>>
    %dma_start3A_246 = tpu.memref_squeeze %dma_start3A_245 : memref<1x128x128xf32, #tpu.memory_space<hbm>> -> memref<128x128xf32, #tpu.memory_space<hbm>>
    %dma_start3A_247 = arith.constant 0 : i32
    %dma_start3A_248 = tpu.memref_slice %arg4[%dma_start3A_240, %mul3A_2, %dma_start3A_247] : memref<200x4096x128xf32, #tpu.memory_space<hbm>> -> memref<1x128x128xf32, #tpu.memory_space<hbm>>
    %dma_start3A_249 = tpu.memref_squeeze %dma_start3A_248 : memref<1x128x128xf32, #tpu.memory_space<hbm>> -> memref<128x128xf32, #tpu.memory_space<hbm>>
    %dma_start3A_250 = arith.constant 128 : i32
    %dma_start3A_251 = arith.constant 0 : i32
    %dma_start3A_252 = tpu.memref_slice %arg6[%dma_start3A_250, %dma_start3A_251] : memref<512x128xf32, #tpu.memory_space<vmem>> -> memref<128x128xf32, #tpu.memory_space<vmem>>
    tpu.enqueue_dma source(%dma_start3A_252 : memref<128x128xf32, #tpu.memory_space<vmem>>) target(%dma_start3A_249 : memref<128x128xf32, #tpu.memory_space<hbm>>) target_semaphore(%arg12 : memref<!tpu.dma_semaphore, #tpu.memory_space<semaphore_mem>>)
    %dma_wait3A_253 = arith.constant 0 : i32
    %dma_wait3A_254 = arith.constant 384 : i32
    %dma_wait3A_255 = arith.constant 0 : i32
    %dma_wait3A_256 = tpu.memref_slice %arg6[%dma_wait3A_254, %dma_wait3A_255] : memref<512x128xf32, #tpu.memory_space<vmem>> -> memref<128x128xf32, #tpu.memory_space<vmem>>
    %dma_wait3A_257 = arith.constant 0 : i32
    %dma_wait3A_258 = tpu.memref_slice %arg4[%dma_wait3A_253, %mul3A_2, %dma_wait3A_257] : memref<200x4096x128xf32, #tpu.memory_space<hbm>> -> memref<1x128x128xf32, #tpu.memory_space<hbm>>
    %dma_wait3A_259 = tpu.memref_squeeze %dma_wait3A_258 : memref<1x128x128xf32, #tpu.memory_space<hbm>> -> memref<128x128xf32, #tpu.memory_space<hbm>>
    %dma_wait3A_260 = arith.constant 0 : i32
    %dma_wait3A_261 = tpu.memref_slice %arg4[%dma_wait3A_253, %mul3A_2, %dma_wait3A_260] : memref<200x4096x128xf32, #tpu.memory_space<hbm>> -> memref<1x128x128xf32, #tpu.memory_space<hbm>>
    %dma_wait3A_262 = tpu.memref_squeeze %dma_wait3A_261 : memref<1x128x128xf32, #tpu.memory_space<hbm>> -> memref<128x128xf32, #tpu.memory_space<hbm>>
    %dma_wait3A_263 = arith.constant 384 : i32
    %dma_wait3A_264 = arith.constant 0 : i32
    %dma_wait3A_265 = tpu.memref_slice %arg6[%dma_wait3A_263, %dma_wait3A_264] : memref<512x128xf32, #tpu.memory_space<vmem>> -> memref<128x128xf32, #tpu.memory_space<vmem>>
    tpu.wait_dma2 semaphore(%arg14 : memref<!tpu.dma_semaphore, #tpu.memory_space<semaphore_mem>>) src(%dma_wait3A_265 : memref<128x128xf32, #tpu.memory_space<vmem>>) dst(%dma_wait3A_262 : memref<128x128xf32, #tpu.memory_space<hbm>>)
    %dma_start3A_266 = arith.constant 199 : i32
    %dma_start3A_267 = arith.constant 384 : i32
    %dma_start3A_268 = arith.constant 0 : i32
    %dma_start3A_269 = tpu.memref_slice %arg6[%dma_start3A_267, %dma_start3A_268] : memref<512x128xf32, #tpu.memory_space<vmem>> -> memref<128x128xf32, #tpu.memory_space<vmem>>
    %dma_start3A_270 = arith.constant 0 : i32
    %dma_start3A_271 = tpu.memref_slice %arg5[%dma_start3A_266, %dma_start3A_270] : memref<200x128xi32, #tpu.memory_space<vmem>> -> memref<1x128xi32, #tpu.memory_space<vmem>>
    %dma_start3A_272 = tpu.memref_squeeze %dma_start3A_271 : memref<1x128xi32, #tpu.memory_space<vmem>> -> memref<128xi32, #tpu.memory_space<vmem>>
    %dma_start3A_273 = arith.constant 0 : i32
    %dma_start3A_274 = arith.constant 0 : i32
    %dma_start3A_275 = tpu.memref_slice %arg3[%dma_start3A_273, %dma_start3A_274] : memref<1000000x128xf32, #tpu.memory_space<hbm>> -> memref<1000000x128xf32, #tpu.memory_space<hbm>>
    tpu.enqueue_indirect_dma source(%dma_start3A_275 : memref<1000000x128xf32, #tpu.memory_space<hbm>>) target(%dma_start3A_269 : memref<128x128xf32, #tpu.memory_space<vmem>>) offsets(%dma_start3A_272 : memref<128xi32, #tpu.memory_space<vmem>>) semaphore(%arg10 : memref<!tpu.dma_semaphore, #tpu.memory_space<semaphore_mem>>)
    %dma_wait3A_276 = arith.constant 0 : i32
    %dma_wait3A_277 = arith.constant 256 : i32
    %dma_wait3A_278 = arith.constant 0 : i32
    %dma_wait3A_279 = tpu.memref_slice %arg6[%dma_wait3A_277, %dma_wait3A_278] : memref<512x128xf32, #tpu.memory_space<vmem>> -> memref<128x128xf32, #tpu.memory_space<vmem>>
    %dma_wait3A_280 = arith.constant 0 : i32
    %dma_wait3A_281 = tpu.memref_slice %arg5[%dma_wait3A_276, %dma_wait3A_280] : memref<200x128xi32, #tpu.memory_space<vmem>> -> memref<1x128xi32, #tpu.memory_space<vmem>>
    %dma_wait3A_282 = tpu.memref_squeeze %dma_wait3A_281 : memref<1x128xi32, #tpu.memory_space<vmem>> -> memref<128xi32, #tpu.memory_space<vmem>>
    %dma_wait3A_283 = arith.constant 0 : i32
    %dma_wait3A_284 = arith.constant 0 : i32
    %dma_wait3A_285 = tpu.memref_slice %arg3[%dma_wait3A_283, %dma_wait3A_284] : memref<1000000x128xf32, #tpu.memory_space<hbm>> -> memref<1000000x128xf32, #tpu.memory_space<hbm>>
    tpu.wait_indirect_dma semaphore(%arg9 : memref<!tpu.dma_semaphore, #tpu.memory_space<semaphore_mem>>) src(%dma_wait3A_285 : memref<1000000x128xf32, #tpu.memory_space<hbm>>) dst(%dma_wait3A_279 : memref<128x128xf32, #tpu.memory_space<vmem>>)
    %dma_start3A_286 = arith.constant 198 : i32
    %dma_start3A_287 = arith.constant 256 : i32
    %dma_start3A_288 = arith.constant 0 : i32
    %dma_start3A_289 = tpu.memref_slice %arg6[%dma_start3A_287, %dma_start3A_288] : memref<512x128xf32, #tpu.memory_space<vmem>> -> memref<128x128xf32, #tpu.memory_space<vmem>>
    %dma_start3A_290 = arith.constant 0 : i32
    %dma_start3A_291 = tpu.memref_slice %arg4[%dma_start3A_286, %mul3A_2, %dma_start3A_290] : memref<200x4096x128xf32, #tpu.memory_space<hbm>> -> memref<1x128x128xf32, #tpu.memory_space<hbm>>
    %dma_start3A_292 = tpu.memref_squeeze %dma_start3A_291 : memref<1x128x128xf32, #tpu.memory_space<hbm>> -> memref<128x128xf32, #tpu.memory_space<hbm>>
    %dma_start3A_293 = arith.constant 0 : i32
    %dma_start3A_294 = tpu.memref_slice %arg4[%dma_start3A_286, %mul3A_2, %dma_start3A_293] : memref<200x4096x128xf32, #tpu.memory_space<hbm>> -> memref<1x128x128xf32, #tpu.memory_space<hbm>>
    %dma_start3A_295 = tpu.memref_squeeze %dma_start3A_294 : memref<1x128x128xf32, #tpu.memory_space<hbm>> -> memref<128x128xf32, #tpu.memory_space<hbm>>
    %dma_start3A_296 = arith.constant 256 : i32
    %dma_start3A_297 = arith.constant 0 : i32
    %dma_start3A_298 = tpu.memref_slice %arg6[%dma_start3A_296, %dma_start3A_297] : memref<512x128xf32, #tpu.memory_space<vmem>> -> memref<128x128xf32, #tpu.memory_space<vmem>>
    tpu.enqueue_dma source(%dma_start3A_298 : memref<128x128xf32, #tpu.memory_space<vmem>>) target(%dma_start3A_295 : memref<128x128xf32, #tpu.memory_space<hbm>>) target_semaphore(%arg13 : memref<!tpu.dma_semaphore, #tpu.memory_space<semaphore_mem>>)
    %dma_wait3A_299 = arith.constant 0 : i32
    %dma_wait3A_300 = arith.constant 384 : i32
    %dma_wait3A_301 = arith.constant 0 : i32
    %dma_wait3A_302 = tpu.memref_slice %arg6[%dma_wait3A_300, %dma_wait3A_301] : memref<512x128xf32, #tpu.memory_space<vmem>> -> memref<128x128xf32, #tpu.memory_space<vmem>>
    %dma_wait3A_303 = arith.constant 0 : i32
    %dma_wait3A_304 = tpu.memref_slice %arg5[%dma_wait3A_299, %dma_wait3A_303] : memref<200x128xi32, #tpu.memory_space<vmem>> -> memref<1x128xi32, #tpu.memory_space<vmem>>
    %dma_wait3A_305 = tpu.memref_squeeze %dma_wait3A_304 : memref<1x128xi32, #tpu.memory_space<vmem>> -> memref<128xi32, #tpu.memory_space<vmem>>
    %dma_wait3A_306 = arith.constant 0 : i32
    %dma_wait3A_307 = arith.constant 0 : i32
    %dma_wait3A_308 = tpu.memref_slice %arg3[%dma_wait3A_306, %dma_wait3A_307] : memref<1000000x128xf32, #tpu.memory_space<hbm>> -> memref<1000000x128xf32, #tpu.memory_space<hbm>>
    tpu.wait_indirect_dma semaphore(%arg10 : memref<!tpu.dma_semaphore, #tpu.memory_space<semaphore_mem>>) src(%dma_wait3A_308 : memref<1000000x128xf32, #tpu.memory_space<hbm>>) dst(%dma_wait3A_302 : memref<128x128xf32, #tpu.memory_space<vmem>>)
    %dma_start3A_309 = arith.constant 199 : i32
    %dma_start3A_310 = arith.constant 384 : i32
    %dma_start3A_311 = arith.constant 0 : i32
    %dma_start3A_312 = tpu.memref_slice %arg6[%dma_start3A_310, %dma_start3A_311] : memref<512x128xf32, #tpu.memory_space<vmem>> -> memref<128x128xf32, #tpu.memory_space<vmem>>
    %dma_start3A_313 = arith.constant 0 : i32
    %dma_start3A_314 = tpu.memref_slice %arg4[%dma_start3A_309, %mul3A_2, %dma_start3A_313] : memref<200x4096x128xf32, #tpu.memory_space<hbm>> -> memref<1x128x128xf32, #tpu.memory_space<hbm>>
    %dma_start3A_315 = tpu.memref_squeeze %dma_start3A_314 : memref<1x128x128xf32, #tpu.memory_space<hbm>> -> memref<128x128xf32, #tpu.memory_space<hbm>>
    %dma_start3A_316 = arith.constant 0 : i32
    %dma_start3A_317 = tpu.memref_slice %arg4[%dma_start3A_309, %mul3A_2, %dma_start3A_316] : memref<200x4096x128xf32, #tpu.memory_space<hbm>> -> memref<1x128x128xf32, #tpu.memory_space<hbm>>
    %dma_start3A_318 = tpu.memref_squeeze %dma_start3A_317 : memref<1x128x128xf32, #tpu.memory_space<hbm>> -> memref<128x128xf32, #tpu.memory_space<hbm>>
    %dma_start3A_319 = arith.constant 384 : i32
    %dma_start3A_320 = arith.constant 0 : i32
    %dma_start3A_321 = tpu.memref_slice %arg6[%dma_start3A_319, %dma_start3A_320] : memref<512x128xf32, #tpu.memory_space<vmem>> -> memref<128x128xf32, #tpu.memory_space<vmem>>
    tpu.enqueue_dma source(%dma_start3A_321 : memref<128x128xf32, #tpu.memory_space<vmem>>) target(%dma_start3A_318 : memref<128x128xf32, #tpu.memory_space<hbm>>) target_semaphore(%arg14 : memref<!tpu.dma_semaphore, #tpu.memory_space<semaphore_mem>>)
    %dma_wait3A_322 = arith.constant 0 : i32
    %dma_wait3A_323 = arith.constant 0 : i32
    %dma_wait3A_324 = arith.constant 0 : i32
    %dma_wait3A_325 = tpu.memref_slice %arg6[%dma_wait3A_323, %dma_wait3A_324] : memref<512x128xf32, #tpu.memory_space<vmem>> -> memref<128x128xf32, #tpu.memory_space<vmem>>
    %dma_wait3A_326 = arith.constant 0 : i32
    %dma_wait3A_327 = tpu.memref_slice %arg4[%dma_wait3A_322, %mul3A_2, %dma_wait3A_326] : memref<200x4096x128xf32, #tpu.memory_space<hbm>> -> memref<1x128x128xf32, #tpu.memory_space<hbm>>
    %dma_wait3A_328 = tpu.memref_squeeze %dma_wait3A_327 : memref<1x128x128xf32, #tpu.memory_space<hbm>> -> memref<128x128xf32, #tpu.memory_space<hbm>>
    %dma_wait3A_329 = arith.constant 0 : i32
    %dma_wait3A_330 = tpu.memref_slice %arg4[%dma_wait3A_322, %mul3A_2, %dma_wait3A_329] : memref<200x4096x128xf32, #tpu.memory_space<hbm>> -> memref<1x128x128xf32, #tpu.memory_space<hbm>>
    %dma_wait3A_331 = tpu.memref_squeeze %dma_wait3A_330 : memref<1x128x128xf32, #tpu.memory_space<hbm>> -> memref<128x128xf32, #tpu.memory_space<hbm>>
    %dma_wait3A_332 = arith.constant 0 : i32
    %dma_wait3A_333 = arith.constant 0 : i32
    %dma_wait3A_334 = tpu.memref_slice %arg6[%dma_wait3A_332, %dma_wait3A_333] : memref<512x128xf32, #tpu.memory_space<vmem>> -> memref<128x128xf32, #tpu.memory_space<vmem>>
    tpu.wait_dma2 semaphore(%arg11 : memref<!tpu.dma_semaphore, #tpu.memory_space<semaphore_mem>>) src(%dma_wait3A_334 : memref<128x128xf32, #tpu.memory_space<vmem>>) dst(%dma_wait3A_331 : memref<128x128xf32, #tpu.memory_space<hbm>>)
    %dma_wait3A_335 = arith.constant 0 : i32
    %dma_wait3A_336 = arith.constant 128 : i32
    %dma_wait3A_337 = arith.constant 0 : i32
    %dma_wait3A_338 = tpu.memref_slice %arg6[%dma_wait3A_336, %dma_wait3A_337] : memref<512x128xf32, #tpu.memory_space<vmem>> -> memref<128x128xf32, #tpu.memory_space<vmem>>
    %dma_wait3A_339 = arith.constant 0 : i32
    %dma_wait3A_340 = tpu.memref_slice %arg4[%dma_wait3A_335, %mul3A_2, %dma_wait3A_339] : memref<200x4096x128xf32, #tpu.memory_space<hbm>> -> memref<1x128x128xf32, #tpu.memory_space<hbm>>
    %dma_wait3A_341 = tpu.memref_squeeze %dma_wait3A_340 : memref<1x128x128xf32, #tpu.memory_space<hbm>> -> memref<128x128xf32, #tpu.memory_space<hbm>>
    %dma_wait3A_342 = arith.constant 0 : i32
    %dma_wait3A_343 = tpu.memref_slice %arg4[%dma_wait3A_335, %mul3A_2, %dma_wait3A_342] : memref<200x4096x128xf32, #tpu.memory_space<hbm>> -> memref<1x128x128xf32, #tpu.memory_space<hbm>>
    %dma_wait3A_344 = tpu.memref_squeeze %dma_wait3A_343 : memref<1x128x128xf32, #tpu.memory_space<hbm>> -> memref<128x128xf32, #tpu.memory_space<hbm>>
    %dma_wait3A_345 = arith.constant 128 : i32
    %dma_wait3A_346 = arith.constant 0 : i32
    %dma_wait3A_347 = tpu.memref_slice %arg6[%dma_wait3A_345, %dma_wait3A_346] : memref<512x128xf32, #tpu.memory_space<vmem>> -> memref<128x128xf32, #tpu.memory_space<vmem>>
    tpu.wait_dma2 semaphore(%arg12 : memref<!tpu.dma_semaphore, #tpu.memory_space<semaphore_mem>>) src(%dma_wait3A_347 : memref<128x128xf32, #tpu.memory_space<vmem>>) dst(%dma_wait3A_344 : memref<128x128xf32, #tpu.memory_space<hbm>>)
    %dma_wait3A_348 = arith.constant 0 : i32
    %dma_wait3A_349 = arith.constant 256 : i32
    %dma_wait3A_350 = arith.constant 0 : i32
    %dma_wait3A_351 = tpu.memref_slice %arg6[%dma_wait3A_349, %dma_wait3A_350] : memref<512x128xf32, #tpu.memory_space<vmem>> -> memref<128x128xf32, #tpu.memory_space<vmem>>
    %dma_wait3A_352 = arith.constant 0 : i32
    %dma_wait3A_353 = tpu.memref_slice %arg4[%dma_wait3A_348, %mul3A_2, %dma_wait3A_352] : memref<200x4096x128xf32, #tpu.memory_space<hbm>> -> memref<1x128x128xf32, #tpu.memory_space<hbm>>
    %dma_wait3A_354 = tpu.memref_squeeze %dma_wait3A_353 : memref<1x128x128xf32, #tpu.memory_space<hbm>> -> memref<128x128xf32, #tpu.memory_space<hbm>>
    %dma_wait3A_355 = arith.constant 0 : i32
    %dma_wait3A_356 = tpu.memref_slice %arg4[%dma_wait3A_348, %mul3A_2, %dma_wait3A_355] : memref<200x4096x128xf32, #tpu.memory_space<hbm>> -> memref<1x128x128xf32, #tpu.memory_space<hbm>>
    %dma_wait3A_357 = tpu.memref_squeeze %dma_wait3A_356 : memref<1x128x128xf32, #tpu.memory_space<hbm>> -> memref<128x128xf32, #tpu.memory_space<hbm>>
    %dma_wait3A_358 = arith.constant 256 : i32
    %dma_wait3A_359 = arith.constant 0 : i32
    %dma_wait3A_360 = tpu.memref_slice %arg6[%dma_wait3A_358, %dma_wait3A_359] : memref<512x128xf32, #tpu.memory_space<vmem>> -> memref<128x128xf32, #tpu.memory_space<vmem>>
    tpu.wait_dma2 semaphore(%arg13 : memref<!tpu.dma_semaphore, #tpu.memory_space<semaphore_mem>>) src(%dma_wait3A_360 : memref<128x128xf32, #tpu.memory_space<vmem>>) dst(%dma_wait3A_357 : memref<128x128xf32, #tpu.memory_space<hbm>>)
    %dma_wait3A_361 = arith.constant 0 : i32
    %dma_wait3A_362 = arith.constant 384 : i32
    %dma_wait3A_363 = arith.constant 0 : i32
    %dma_wait3A_364 = tpu.memref_slice %arg6[%dma_wait3A_362, %dma_wait3A_363] : memref<512x128xf32, #tpu.memory_space<vmem>> -> memref<128x128xf32, #tpu.memory_space<vmem>>
    %dma_wait3A_365 = arith.constant 0 : i32
    %dma_wait3A_366 = tpu.memref_slice %arg4[%dma_wait3A_361, %mul3A_2, %dma_wait3A_365] : memref<200x4096x128xf32, #tpu.memory_space<hbm>> -> memref<1x128x128xf32, #tpu.memory_space<hbm>>
    %dma_wait3A_367 = tpu.memref_squeeze %dma_wait3A_366 : memref<1x128x128xf32, #tpu.memory_space<hbm>> -> memref<128x128xf32, #tpu.memory_space<hbm>>
    %dma_wait3A_368 = arith.constant 0 : i32
    %dma_wait3A_369 = tpu.memref_slice %arg4[%dma_wait3A_361, %mul3A_2, %dma_wait3A_368] : memref<200x4096x128xf32, #tpu.memory_space<hbm>> -> memref<1x128x128xf32, #tpu.memory_space<hbm>>
    %dma_wait3A_370 = tpu.memref_squeeze %dma_wait3A_369 : memref<1x128x128xf32, #tpu.memory_space<hbm>> -> memref<128x128xf32, #tpu.memory_space<hbm>>
    %dma_wait3A_371 = arith.constant 384 : i32
    %dma_wait3A_372 = arith.constant 0 : i32
    %dma_wait3A_373 = tpu.memref_slice %arg6[%dma_wait3A_371, %dma_wait3A_372] : memref<512x128xf32, #tpu.memory_space<vmem>> -> memref<128x128xf32, #tpu.memory_space<vmem>>
    tpu.wait_dma2 semaphore(%arg14 : memref<!tpu.dma_semaphore, #tpu.memory_space<semaphore_mem>>) src(%dma_wait3A_373 : memref<128x128xf32, #tpu.memory_space<vmem>>) dst(%dma_wait3A_370 : memref<128x128xf32, #tpu.memory_space<hbm>>)
    return
  }
}

</mosaic_0001>

<sc_bundles>
// kernel: _emb_call.3.cloned.1.call-start
scs
__scs_entry_jumppad:
0x0: {  	(pc) =	sbr.rel $0x88, $3  }
0x1: {  	(tag) =	ssettag $0x0;
	lr =	simm.s32 $0x1  }
0x2: {  	[smem:$0x3F9F] =	sst lr;
	_ =	strace $0xD0000000  }
0x3: {  	_ = 	snop  }
0x4: {  	_ = 	snop  }
0x5: {  	_ = 	snop  }
0x6: {  	_ = 	snop  }
0x7: {  	_ = 	snop  }
__scs_overlays_trampoline_lowered:
0x8: {  	[smem:$0x3FAE] =	sst s0  }
0x9: {  	[smem:$0x3FAF] =	sst s1  }
0xa: {  	[smem:$0x3FB0] =	sst s2  }
0xb: {  	[smem:$0x3FB1] =	sst s3  }
0xc: {  	[smem:$0x3FB2] =	sst s4  }
0xd: {  	[smem:$0x3FB3] =	sst s5  }
0xe: {  	[smem:$0x3FB4] =	sst s6  }
0xf: {  	[smem:$0x3FB5] =	sst s7  }
0x10: {  	[smem:$0x3FB6] =	sst s8  }
0x11: {  	[smem:$0x3FB7] =	sst s9;
	s0 =	simm.s32 @!p0 $0x0  }
0x12: {  	s1 =	sld [smem:$0x3F9D];
	s0 =	simm.s32 @p0 $0x1  }
0x13: {  	[smem:$0x3FB8] =	sst s0;
	s0 =	simm.s32 @!p1 $0x0  }
0x14: {  	s2 =	sld [smem:$0x3F9C];
	s0 =	simm.s32 @p1 $0x1  }
0x15: {  	[smem:$0x3FB9] =	sst s0;
	s0 =	simm.s32 @!p2 $0x0  }
0x16: {  	s3 =	sld [smem:$0x3FDB];
	s0 =	simm.s32 @p2 $0x1  }
0x17: {  	s4 =	simm.s32 $0x1BF5;
	[smem:$0x3FBB] =	sst s0  }
0x18: {  	s0 =	sld [smem:$0x3F9E];
	_ =	swait.ge [sflag:s4], $0x0  }
0x19: {  	s7 =	sld [smem:$0x3F9F]  }
0x1a: {  	s8 =	sadd.s32 $0xFFFFE003, lr  }
0x1b: {  	s9 =	sadd.s32 $0xFFFFFEF7, lr;
	s5 =	simm.s32 $0xFFFFFFFF;
	p2 =	slt.u32 s8, $0xFFFFF086  }
0x1c: {  	p1 =	slt.u32 s9, $0xF7A;
	s5 =	simm.s32 @!p2 $0x0  }
0x1d: {  	s5 =	simm.s32 @p1 $0x1;
	p0 =	seq.s32 s7, s2  }
0x1e: {  	s7 =	smul.u32 @!p0 $0xF7A, s2;
	p2 =	seq.s32 @!p0 s5, $0x0  }
0x1f: {  	s9 =	smul.u32 $0xF7A, s1;
	s8 =	simm.s32 @!p0 $0x1BF5;
	p2 =	por !p2, p0  }
0x20: {  	[sflag:s8] =	ssyncset.s32 @!p0 $0xFFFFF086;
	s6 =	sadd.s32 @!p0 s3, s7;
	s7 =	simm.s32 @!p0 $0x108  }
0x21: {  	s3 =	sadd.s32 s3, s9;
	s6 =	sadd.s32 @!p0 $0x88, s6;
	s7 =	simm.s32 @p2 $0x1082  }
0x22: {  	[simem:s7], [sflag:s8] =	dma.local @!p0 [hbm:s6], $0xF7A  }
0x23: {  	s9 =	sor.u32 $0xD0000000, s2;
	s6 =	simm.s32 $0x108;
	_ =	swait.ge @!p0 [sflag:s8], $0x0  }
0x24: {  	s3 =	sadd.s32 $0x88, s3;
	s6 =	simm.s32 @!p1 $0x1082;
	[sflag:s4] =	ssyncset.s32 $0xFFFFF086  }
0x25: {  	[simem:s6], [sflag:s4] =	dma.local [hbm:s3], $0xF7A  }
0x26: {  	[smem:$0x3F9F] =	sst s1;
	(tag) =	ssettag s2;
	_ =	strace s9  }
0x27: {  	s1 =	sld [smem:$0x3FAF]  }
0x28: {  	s2 =	sld [smem:$0x3FB0]  }
0x29: {  	s4 =	sld [smem:$0x3FB2]  }
0x2a: {  	p0 =	seq.s32 s5, $0x0;
	s5 =	sld [smem:$0x3FB3]  }
0x2b: {  	s6 =	sld [smem:$0x3FB4]  }
0x2c: {  	s7 =	sld [smem:$0x3FB5]  }
0x2d: {  	s3 =	simm.s32 $0x108;
	s8 =	sld [smem:$0x3FB6]  }
0x2e: {  	s3 =	simm.s32 @!p0 $0x1082;
	s9 =	sld [smem:$0x3FB7]  }
0x2f: {  	lr =	sadd.s32 s0, s3;
	s0 =	sld [smem:$0x3FAE]  }
0x30: {  	s3 =	sld [smem:$0x3FB1]  }
0x31: {  	[smem:$0x3FBA] =	sst s10  }
0x32: {  	s10 =	sld [smem:$0x3FB8];
	_ =	sdelay $0x3  }
0x33: {  	p0 =	seq.s32 s10, $0x1;
	s10 =	sld [smem:$0x3FBA];
	_ =	sdelay $0x3  }
0x34: {  	[smem:$0x3FBA] =	sst s10  }
0x35: {  	s10 =	sld [smem:$0x3FB9];
	_ =	sdelay $0x3  }
0x36: {  	p1 =	seq.s32 s10, $0x1;
	s10 =	sld [smem:$0x3FBA];
	_ =	sdelay $0x3  }
0x37: {  	[smem:$0x3FBA] =	sst s10  }
0x38: {  	s10 =	sld [smem:$0x3FBB]  }
0x39: {  	_ = 	snop;
	(pc) =	sbr.ind lr, $3  }
0x3a: {  	_ = 	snop  }
0x3b: {  	_ = 	snop  }
0x3c: {  	p2 =	seq.s32 s10, $0x1;
	s10 =	sld [smem:$0x3FBA]  }
0x3d: {  	_ =	shalt  }
0x3e: {  	_ =	shalt  }
0x3f: {  	_ =	shalt  }
0x40: {  	_ =	shalt  }
0x41: {  	_ =	shalt  }
0x42: {  	_ =	shalt  }
0x43: {  	_ =	shalt  }
0x44: {  	_ =	shalt  }
0x45: {  	_ =	shalt  }
0x46: {  	_ =	shalt  }
0x47: {  	_ =	shalt  }
0x48: {  	_ =	shalt  }
0x49: {  	_ =	shalt  }
0x4a: {  	_ =	shalt  }
0x4b: {  	_ =	shalt  }
0x4c: {  	_ =	shalt  }
0x4d: {  	_ =	shalt  }
0x4e: {  	_ =	shalt  }
0x4f: {  	_ =	shalt  }
0x50: {  	_ =	shalt  }
0x51: {  	_ =	shalt  }
0x52: {  	_ =	shalt  }
0x53: {  	_ =	shalt  }
0x54: {  	_ =	shalt  }
0x55: {  	_ =	shalt  }
0x56: {  	_ =	shalt  }
0x57: {  	_ =	shalt  }
0x58: {  	_ =	shalt  }
0x59: {  	_ =	shalt  }
0x5a: {  	_ =	shalt  }
0x5b: {  	_ =	shalt  }
0x5c: {  	_ =	shalt  }
0x5d: {  	_ =	shalt  }
0x5e: {  	_ =	shalt  }
0x5f: {  	_ =	shalt  }
0x60: {  	_ =	shalt  }
0x61: {  	_ =	shalt  }
0x62: {  	_ =	shalt  }
0x63: {  	_ =	shalt  }
0x64: {  	_ =	shalt  }
0x65: {  	_ =	shalt  }
0x66: {  	_ =	shalt  }
0x67: {  	_ =	shalt  }
0x68: {  	_ =	shalt  }
0x69: {  	_ =	shalt  }
0x6a: {  	_ =	shalt  }
0x6b: {  	_ =	shalt  }
0x6c: {  	_ =	shalt  }
0x6d: {  	_ =	shalt  }
0x6e: {  	_ =	shalt  }
0x6f: {  	_ =	shalt  }
0x70: {  	_ =	shalt  }
0x71: {  	_ =	shalt  }
0x72: {  	_ =	shalt  }
0x73: {  	_ =	shalt  }
0x74: {  	_ =	shalt  }
0x75: {  	_ =	shalt  }
0x76: {  	_ =	shalt  }
0x77: {  	_ =	shalt  }
0x78: {  	_ =	shalt  }
0x79: {  	_ =	shalt  }
0x7a: {  	_ =	shalt  }
0x7b: {  	_ =	shalt  }
0x7c: {  	_ =	shalt  }
0x7d: {  	_ =	shalt  }
0x7e: {  	_ =	shalt  }
0x7f: {  	_ =	shalt  }
0x80: {  	_ =	shalt  }
0x81: {  	_ =	shalt  }
0x82: {  	_ =	shalt  }
0x83: {  	_ =	shalt  }
0x84: {  	_ =	shalt  }
0x85: {  	_ =	shalt  }
0x86: {  	_ =	shalt  }
0x87: {  	_ =	shalt  }
.Lfunc_end0:
.L_simem_size_0:
called_computation_lowered:
.L_overlay_start_0:
0x88: {  	s2 =	sld [smem:$0x3FD9]  }
0x89: {  	s3 =	sld [smem:$0x3FFE];
	_ =	sdelay $0x1  }
0x8a: {  	s1 =	srdreg.scid  }
0x8b: {  	s0 =	sand.u32 $0x1, s1  }
0x8c: {  	s18 =	sshll.u32 s0, $0xA;
	s2 =	sadd.s32 s3, s2  }
0x8d: {  	s2 =	sadd.s32 s2, s18  }
0x8e: {  	[smem:$0x3FC6] =	sst s2  }
0x8f: {  	_ = 	snop  }
0x90: {  	s2 =	sld [smem:$0x3FC9]  }
0x91: {  	s19 =	sld [smem:$0x3FC8]  }
0x92: {  	s4 =	sld [smem:$0x3FD0];
	(tm) =	ssettm $0x1  }
0x93: {  	s5 =	sld [smem:$0x3FFB];
	_ =	sdelay $0x3  }
0x94: {  	_ =	strace s5  }
0x95: {  	s5 =	sld [smem:$0x3FFC];
	_ =	sdelay $0x3  }
0x96: {  	_ =	strace s5  }
0x97: {  	s5 =	sld [smem:$0x3FFD];
	_ =	sdelay $0x3  }
0x98: {  	_ =	strace s5  }
0x99: {  	_ =	strace $0x8FFFFFFF  }
0x9a: {  	s20 =	sld [smem:$0x3FDB];
	_ =	sdelay $0x1  }
0x9b: {  	s6 =	simm.s32 $_scs_section_size  }
0x9c: {  	s7 =	simm.s32 $_size__tile_overlayer_lowered;
	s8 =	simm.s32 $_tile_overlayer_lowered  }
0x9d: {  	s23 =	simm.s32 $0x1BFF;
	s22 =	sshll.u32 s8, $0x1;
	s5 =	sadd.s32 s6, s20  }
0x9e: {  	s9 =	simm.s32 $0x0;
	s21 =	sshll.u32 s7, $0x1;
	s7 =	sadd.s32 s22, s5  }
0x9f: {  	[timem:s9], [sflag:s23] =	dma.local [hbm:s7], s21  }
0xa0: {  	_ =	swait.ge [sflag:s23], s21  }
0xa1: {  	s6 =	ssub.s32 $0x0, s21;
	[sflag:s23] =	ssyncset.done $0x0  }
0xa2: {  	[sflag:s23] =	ssyncadd.s32 s6;
	_ =	sdelay $0x1  }
0xa3: {  	s24 =	simm.s32 $0x1B8B  }
0xa4: {  	_ =	swait.ge [sflag:s24], $0x1  }
0xa5: {  	[sflag:s24] =	ssyncset.done $0x0  }
0xa6: {  	s25 =	simm.s32 $0x1B8E;
	[sflag:s24] =	ssyncadd.s32 $0xFFFFFFFF  }
0xa7: {  	s26 =	simm.s32 $execute0_lowered;
	[smem:$0x3FD2] =	sst s25  }
0xa8: {  	s6 =	sshll.u32 s26, $0x1;
	_ =	strace $0x80000046;
	[dreg:$0x1] =	wrdreg $0xFFFFFFFF  }
0xa9: {  	s28 =	simm.s32 $_size_execute0_lowered;
	s5 =	sadd.s32 s5, s6;
	[dreg:$0x0] =	wrdreg $0x0  }
0xaa: {  	s6 =	sshll.u32 s28, $0x1;
	[dreg:$0x2] =	wrdreg s5  }
0xab: {  	[dreg:$0x3] =	wrdreg s6  }
0xac: {  	[dreg:$0x4] =	wrdreg $0xC0  }
0xad: {  	_ =	task [dreg:s9], $0x5FFFF  }
0xae: {  	[dreg:$0x1] =	wrdreg $0xFFFFFFFF  }
0xaf: {  	[dreg:$0x0] =	wrdreg $0x60  }
0xb0: {  	[dreg:$0x2] =	wrdreg s2  }
0xb1: {  	[dreg:$0x3] =	wrdreg s19  }
0xb2: {  	[dreg:$0x4] =	wrdreg s4  }
0xb3: {  	[dreg:$0x5] =	wrdreg $0x9  }
0xb4: {  	_ =	task.clear_ibuf [dreg:s9], $0x6FFFF;
	_ =	strace $0x90000046  }
0xb5: {  	s29 =	simm.s32 $0x9;
	_ =	strace $0x80000048  }
0xb6: {  	_ =	swait.ge [sflag:s29], $0x1  }
0xb7: {  	[sflag:s29] =	ssyncadd.s32 $0xFFFFFFFF  }
0xb8: {  	_ =	strace $0x90000048  }
0xb9: {  	_ =	sfence  }
0xba: {  	s30 =	sld [smem:$0x0];
	_ =	sdelay $0x2  }
0xbb: {  	s31 =	sshll.u32 s1, $0xD;
	s1 =	sshrl.u32 s1, $0x2  }
0xbc: {  	s3 =	sand.u32 $0x4000, s31;
	s1 =	sadd.s32 s1, s30  }
0xbd: {  	s0 =	sor.u32 s3, s0;
	s1 =	sshll.u32 s1, $0x11  }
0xbe: {  	s0 =	sor.u32 s1, s0  }
0xbf: {  	s0 =	sadd.s32 $0x8F2B, s0  }
0xc0: {  	[sflag:s0] =	ssyncadd.remote.s32 $0x1  }
0xc1: {  	_ =	sfence.sel $0xFFFF  }
0xc2: {  	[dreg:$0x0] =	wrdreg $0xFFFFFFFF;
	(pc) =	sbr.abs _section_cstart, $3  }
0xc3: {  	[dreg:$0x1] =	wrdreg $0xFFFFFFFF  }
0xc4: {  	_ =	task.clear_ibuf [dreg:s9], $0x2FFFF;
	_ =	strace $0x9FFFFFFF  }
0xc5: {  	(tm) =	ssettm $0x7FFFFFFF  }
tec
execute0_lowered:
.L_overlay_start_1:
0x0: {  	(tag) =	ssettag $0x1  }
0x1: {  	s0 =	rddreg [dreg:$0x0]  }
0x2: {  	s2 =	rddreg [dreg:$0x1]  }
0x3: {  	s3 =	rddreg [dreg:$0x2]  }
0x4: {  	s1 =	srdreg.scid;
	s10 =	stileid.u32;
	s4 =	simm.s32 $0x0  }
0x5: {  	s28 =	simm.s32 $0xE400;
	s29 =	simm.s32 $0x2;
	s31 =	simm.s32 $0x12400  }
0x6: {  	s30 =	simm.s32 $0x8;
	s1 =	sand.u32 $0x1, s1;
	s5 =	sshll.u32 s10, $0x8  }
0x7: {  	[smem:$0x7FF] =	sst s4;
	s19 =	sshll.u32 s10, $0xF;
	s6 =	sshll.u32 s1, $0x7  }
0x8: {  	s7 =	ssub.s32 $0x2, s1;
	_ =	strace $0x80000047;
	s1 =	sshll.u32 s1, $0xE  }
0x9: {  	s8 =	sor.u32 s6, s5;
	s15 =	sshrl.u32 s7, $0x1;
	s6 =	sadd.s32 $0x10000, s3  }
0xa: {  	s9 =	sshll.u32 s8, $0x4;
	s7 =	ssub.s32 s7, s15;
	s0 =	sadd.s32 s0, s8  }
0xb: {  	s5 =	sadd.s32 s3, s9;
	[dreg:$0x4] =	wrdreg s0;
	s16 =	sadd.s32 s9, s6  }
0xc: {  	s0 =	sor.u32 s1, s19;
	[dreg:$0x5] =	wrdreg s16;
	s17 =	sadd.s32 $0x20000, s5  }
0xd: {  	s15 =	smax.u32 s7, $0x1;
	s18 =	sadd.s32 $0x30000, s5;
	[dreg:$0x6] =	wrdreg s17  }
0xe: {  	s19 =	simm.s32 $0x7;
	s20 =	sadd.s32 $0xC40000, s5;
	[dreg:$0x7] =	wrdreg s18  }
0xf: {  	s7 =	simm.s32 $0x0;
	s21 =	sadd.s32 $0xC50000, s5;
	[dreg:$0x8] =	wrdreg s20  }
0x10: {  	s22 =	sadd.s32 $0xC60000, s5;
	s23 =	sadd.s32 $0xC70000, s5;
	[dreg:$0x9] =	wrdreg s21  }
0x11: {  	s24 =	sor.u32 $0x380000, s0;
	s25 =	sor.u32 $0x300000, s0;
	[dreg:$0xa] =	wrdreg s22  }
0x12: {  	s16 =	sor.u32 $0x200000, s0;
	s0 =	simm.s32 $0x3;
	[dreg:$0xb] =	wrdreg s23  }
0x13: {  	s1 =	sshrl.u32 s24, $0x3;
	s26 =	sshrl.u32 s25, $0x3;
	s21 =	simm.s32 $0x9  }
0x14: {  	s22 =	simm.s32 $0x80;
	s23 =	simm.s32 $0x6400;
	s24 =	simm.s32 $0xA400  }
0x15: {  	s25 =	simm.s32 $0x1;
	s20 =	simm.s32 $0x4;
	s17 =	sadd.s32 s1, s3  }
0x16: {  	s18 =	sadd.s32 s26, s3;
	s1 =	simm.s32 $0x5;
	s26 =	simm.s32 $0x6  }
.LBB2_1:
0x17: {  	s8 =	rddreg [dreg:$0x4];
	s9 =	simm.s32 $0x400;
	s10 =	simm.s32 $0x8000  }
0x18: {  	[tilespmem:s4], [sflag:$0x9] =	stream.strided.gather [hbm4b:s8+s9], $0x6400, s10, s9, $0x38;
	[tilespmem:$0x16400] =	vst v63  }
0x19: {  	_ =	swait.ge [sflag:s21], $0x6400  }
0x1a: {  	[sflag:s21] =	ssyncset.done $0x0  }
0x1b: {  	[sflag:s21] =	ssyncadd.s32 $0xFFFF9C00  }
0x1c: {  	[tilespmem:s23], [sflag:$0x1] =	stream.indirect.gather [hbm4b:s2+s22], $0x80, s4, s22, $0xb8;
	[tilespmem:$0x16400] =	vst v63  }
0x1d: {  	_ = 	snop  }
0x1e: {  	[tilespmem:s24], [sflag:$0x2] =	stream.indirect.gather [hbm4b:s2+s22], $0x80, s22, s22, $0xb8;
	[tilespmem:$0x16400] =	vst v63  }
0x1f: {  	_ =	swait.ge [sflag:s25], $0x4000  }
0x20: {  	[sflag:s25] =	ssyncset.done $0x0  }
0x21: {  	[sflag:s25] =	ssyncadd.s32 $0xFFFFC000  }
0x22: {  	[hbm4b:s5+s4] =	stream.linear.scatter [tilespmem:s23], [sflag:$0x5], $0x4000, $0x38;
	[tilespmem:$0x16400] =	vst v63  }
0x23: {  	s9 =	simm.s32 $0x100  }
0x24: {  	[tilespmem:s28], [sflag:$0x3] =	stream.indirect.gather [hbm4b:s2+s22], $0x80, s9, s22, $0xb8;
	[tilespmem:$0x16400] =	vst v63  }
0x25: {  	_ =	swait.ge [sflag:s29], $0x4000  }
0x26: {  	[sflag:s29] =	ssyncset.done $0x0  }
0x27: {  	s10 =	rddreg [dreg:$0x5];
	[sflag:s29] =	ssyncadd.s32 $0xFFFFC000  }
0x28: {  	[hbm4b:s10+s4] =	stream.linear.scatter [tilespmem:s24], [sflag:$0x6], $0x4000, $0x38;
	[tilespmem:$0x16400] =	vst v63  }
0x29: {  	s11 =	simm.s32 $0x180  }
0x2a: {  	[tilespmem:s31], [sflag:$0x4] =	stream.indirect.gather [hbm4b:s2+s22], $0x80, s11, s22, $0xb8;
	[tilespmem:$0x16400] =	vst v63  }
0x2b: {  	_ =	swait.ge [sflag:s0], $0x4000  }
0x2c: {  	[sflag:s0] =	ssyncset.done $0x0  }
0x2d: {  	s12 =	rddreg [dreg:$0x6];
	[sflag:s0] =	ssyncadd.s32 $0xFFFFC000  }
0x2e: {  	[hbm4b:s12+s4] =	stream.linear.scatter [tilespmem:s28], [sflag:$0x7], $0x4000, $0x38;
	[tilespmem:$0x16400] =	vst v63  }
0x2f: {  	_ =	swait.ge [sflag:s1], $0x4000  }
0x30: {  	[sflag:s1] =	ssyncset.done $0x0  }
0x31: {  	s13 =	simm.s32 $0x200;
	[sflag:s1] =	ssyncadd.s32 $0xFFFFC000  }
0x32: {  	[tilespmem:s23], [sflag:$0x1] =	stream.indirect.gather [hbm4b:s2+s22], $0x80, s13, s22, $0xb8;
	[tilespmem:$0x16400] =	vst v63  }
0x33: {  	_ =	swait.ge [sflag:s20], $0x4000  }
0x34: {  	[sflag:s20] =	ssyncset.done $0x0  }
0x35: {  	s14 =	rddreg [dreg:$0x7];
	[sflag:s20] =	ssyncadd.s32 $0xFFFFC000  }
0x36: {  	[hbm4b:s14+s4] =	stream.linear.scatter [tilespmem:s31], [sflag:$0x8], $0x4000, $0x38;
	[tilespmem:$0x16400] =	vst v63  }
0x37: {  	_ =	swait.ge [sflag:s26], $0x4000  }
0x38: {  	[sflag:s26] =	ssyncset.done $0x0  }
0x39: {  	s9 =	simm.s32 $0x280;
	[sflag:s26] =	ssyncadd.s32 $0xFFFFC000  }
0x3a: {  	[tilespmem:s24], [sflag:$0x2] =	stream.indirect.gather [hbm4b:s2+s22], $0x80, s9, s22, $0xb8;
	[tilespmem:$0x16400] =	vst v63  }
0x3b: {  	_ =	swait.ge [sflag:s25], $0x4000  }
0x3c: {  	s10 =	sshrl.u32 s16, $0x3;
	[sflag:s25] =	ssyncset.done $0x0  }
0x3d: {  	s11 =	sadd.s32 s3, s10;
	[sflag:s25] =	ssyncadd.s32 $0xFFFFC000  }
0x3e: {  	[hbm4b:s11+s4] =	stream.linear.scatter [tilespmem:s23], [sflag:$0x5], $0x4000, $0x38;
	[tilespmem:$0x16400] =	vst v63  }
0x3f: {  	_ =	swait.ge [sflag:s19], $0x4000  }
0x40: {  	[sflag:s19] =	ssyncset.done $0x0  }
0x41: {  	s12 =	simm.s32 $0x300;
	[sflag:s19] =	ssyncadd.s32 $0xFFFFC000  }
0x42: {  	[tilespmem:s28], [sflag:$0x3] =	stream.indirect.gather [hbm4b:s2+s22], $0x80, s12, s22, $0xb8;
	[tilespmem:$0x16400] =	vst v63  }
0x43: {  	_ =	swait.ge [sflag:s29], $0x4000  }
0x44: {  	[sflag:s29] =	ssyncset.done $0x0  }
0x45: {  	s8 =	sadd.s32 s10, s6;
	[sflag:s29] =	ssyncadd.s32 $0xFFFFC000  }
0x46: {  	[hbm4b:s8+s4] =	stream.linear.scatter [tilespmem:s24], [sflag:$0x6], $0x4000, $0x38;
	[tilespmem:$0x16400] =	vst v63  }
0x47: {  	_ =	swait.ge [sflag:s30], $0x4000  }
0x48: {  	[sflag:s30] =	ssyncset.done $0x0  }
0x49: {  	s13 =	simm.s32 $0x380;
	[sflag:s30] =	ssyncadd.s32 $0xFFFFC000  }
0x4a: {  	[tilespmem:s31], [sflag:$0x4] =	stream.indirect.gather [hbm4b:s2+s22], $0x80, s13, s22, $0xb8;
	[tilespmem:$0x16400] =	vst v63  }
0x4b: {  	_ =	swait.ge [sflag:s0], $0x4000  }
0x4c: {  	[sflag:s0] =	ssyncset.done $0x0  }
0x4d: {  	[sflag:s0] =	ssyncadd.s32 $0xFFFFC000  }
0x4e: {  	[hbm4b:s18+s4] =	stream.linear.scatter [tilespmem:s28], [sflag:$0x7], $0x4000, $0x38;
	[tilespmem:$0x16400] =	vst v63  }
0x4f: {  	_ =	swait.ge [sflag:s1], $0x4000  }
0x50: {  	[sflag:s1] =	ssyncset.done $0x0  }
0x51: {  	s14 =	simm.s32 $0x400;
	[sflag:s1] =	ssyncadd.s32 $0xFFFFC000  }
0x52: {  	[tilespmem:s23], [sflag:$0x1] =	stream.indirect.gather [hbm4b:s2+s22], $0x80, s14, s22, $0xb8;
	[tilespmem:$0x16400] =	vst v63  }
0x53: {  	_ =	swait.ge [sflag:s20], $0x4000  }
0x54: {  	[sflag:s20] =	ssyncset.done $0x0  }
0x55: {  	[sflag:s20] =	ssyncadd.s32 $0xFFFFC000  }
0x56: {  	[hbm4b:s17+s4] =	stream.linear.scatter [tilespmem:s31], [sflag:$0x8], $0x4000, $0x38;
	[tilespmem:$0x16400] =	vst v63  }
0x57: {  	s10 =	sadd.s32 $0x40000, s18;
	_ =	swait.ge [sflag:s26], $0x4000  }
0x58: {  	s9 =	sadd.s32 $0x40000, s17;
	s11 =	sadd.s32 $0x200000, s16;
	[sflag:s26] =	ssyncset.done $0x0  }
0x59: {  	s12 =	simm.s32 $0x480;
	s8 =	simm.s32 $0x800;
	[sflag:s26] =	ssyncadd.s32 $0xFFFFC000  }
.LBB2_2:
0x5a: {  	[tilespmem:s24], [sflag:$0x2] =	stream.indirect.gather [hbm4b:s2+s22], $0x80, s12, s22, $0xb8;
	[tilespmem:$0x16400] =	vst v63  }
0x5b: {  	s12 =	smov.u32 s8  }
0x5c: {  	p0 =	sne.s32 s8, $0x17800;
	s8 =	sadd.s32 $0x800, s8;
	_ =	swait.ge [sflag:s25], $0x4000  }
0x5d: {  	s13 =	sshrl.u32 s11, $0x3;
	[sflag:s25] =	ssyncset.done $0x0  }
0x5e: {  	s14 =	sadd.s32 s3, s13;
	[sflag:s25] =	ssyncadd.s32 $0xFFFFC000  }
0x5f: {  	[hbm4b:s14+s4] =	stream.linear.scatter [tilespmem:s23], [sflag:$0x5], $0x4000, $0x38;
	[tilespmem:$0x16400] =	vst v63  }
0x60: {  	_ =	swait.ge [sflag:s19], $0x4000  }
0x61: {  	s12 =	sshra.s32 s12, $0x2;
	[sflag:s19] =	ssyncset.done $0x0  }
0x62: {  	s14 =	sadd.s32 $0x300, s12;
	[sflag:s19] =	ssyncadd.s32 $0xFFFFC000  }
0x63: {  	[tilespmem:s28], [sflag:$0x3] =	stream.indirect.gather [hbm4b:s2+s22], $0x80, s14, s22, $0xb8;
	[tilespmem:$0x16400] =	vst v63  }
0x64: {  	_ =	swait.ge [sflag:s29], $0x4000  }
0x65: {  	[sflag:s29] =	ssyncset.done $0x0  }
0x66: {  	s13 =	sadd.s32 s13, s6;
	[sflag:s29] =	ssyncadd.s32 $0xFFFFC000  }
0x67: {  	[hbm4b:s13+s4] =	stream.linear.scatter [tilespmem:s24], [sflag:$0x6], $0x4000, $0x38;
	[tilespmem:$0x16400] =	vst v63  }
0x68: {  	_ =	swait.ge [sflag:s30], $0x4000  }
0x69: {  	[sflag:s30] =	ssyncset.done $0x0  }
0x6a: {  	s13 =	sadd.s32 $0x380, s12;
	[sflag:s30] =	ssyncadd.s32 $0xFFFFC000  }
0x6b: {  	[tilespmem:s31], [sflag:$0x4] =	stream.indirect.gather [hbm4b:s2+s22], $0x80, s13, s22, $0xb8;
	[tilespmem:$0x16400] =	vst v63  }
0x6c: {  	_ =	swait.ge [sflag:s0], $0x4000  }
0x6d: {  	[sflag:s0] =	ssyncset.done $0x0  }
0x6e: {  	[sflag:s0] =	ssyncadd.s32 $0xFFFFC000  }
0x6f: {  	[hbm4b:s10+s4] =	stream.linear.scatter [tilespmem:s28], [sflag:$0x7], $0x4000, $0x38;
	[tilespmem:$0x16400] =	vst v63  }
0x70: {  	_ =	swait.ge [sflag:s1], $0x4000  }
0x71: {  	[sflag:s1] =	ssyncset.done $0x0  }
0x72: {  	s13 =	sadd.s32 $0x400, s12;
	[sflag:s1] =	ssyncadd.s32 $0xFFFFC000  }
0x73: {  	[tilespmem:s23], [sflag:$0x1] =	stream.indirect.gather [hbm4b:s2+s22], $0x80, s13, s22, $0xb8;
	[tilespmem:$0x16400] =	vst v63  }
0x74: {  	_ =	swait.ge [sflag:s20], $0x4000  }
0x75: {  	[sflag:s20] =	ssyncset.done $0x0  }
.Ltmp0:
0x76: {  	[sflag:s20] =	ssyncadd.s32 $0xFFFFC000;
	(pc) =	sbr.rel @p0 .LBB2_2-.Ltmp0, $4  }
0x77: {  	[hbm4b:s9+s4] =	stream.linear.scatter [tilespmem:s31], [sflag:$0x8], $0x4000, $0x38;
	[tilespmem:$0x16400] =	vst v63  }
0x78: {  	_ =	swait.ge [sflag:s26], $0x4000  }
0x79: {  	s10 =	sadd.s32 $0x40000, s10;
	s9 =	sadd.s32 $0x40000, s9;
	[sflag:s26] =	ssyncset.done $0x0  }
0x7a: {  	s11 =	sadd.s32 $0x200000, s11;
	s12 =	sadd.s32 $0x480, s12;
	[sflag:s26] =	ssyncadd.s32 $0xFFFFC000  }
0x7b: {  	[tilespmem:s24], [sflag:$0x2] =	stream.indirect.gather [hbm4b:s2+s22], $0x80, s12, s22, $0xb8;
	[tilespmem:$0x16400] =	vst v63  }
0x7c: {  	_ =	swait.ge [sflag:s25], $0x4000  }
0x7d: {  	[sflag:s25] =	ssyncset.done $0x0  }
0x7e: {  	s8 =	rddreg [dreg:$0x8];
	[sflag:s25] =	ssyncadd.s32 $0xFFFFC000  }
0x7f: {  	[hbm4b:s8+s4] =	stream.linear.scatter [tilespmem:s23], [sflag:$0x5], $0x4000, $0x38;
	[tilespmem:$0x16400] =	vst v63  }
0x80: {  	_ =	swait.ge [sflag:s19], $0x4000  }
0x81: {  	[sflag:s19] =	ssyncset.done $0x0  }
0x82: {  	s10 =	simm.s32 $0x6300;
	[sflag:s19] =	ssyncadd.s32 $0xFFFFC000  }
0x83: {  	[tilespmem:s28], [sflag:$0x3] =	stream.indirect.gather [hbm4b:s2+s22], $0x80, s10, s22, $0xb8;
	[tilespmem:$0x16400] =	vst v63  }
0x84: {  	_ =	swait.ge [sflag:s29], $0x4000  }
0x85: {  	[sflag:s29] =	ssyncset.done $0x0  }
0x86: {  	s11 =	rddreg [dreg:$0x9];
	[sflag:s29] =	ssyncadd.s32 $0xFFFFC000  }
0x87: {  	[hbm4b:s11+s4] =	stream.linear.scatter [tilespmem:s24], [sflag:$0x6], $0x4000, $0x38;
	[tilespmem:$0x16400] =	vst v63  }
0x88: {  	_ =	swait.ge [sflag:s30], $0x4000  }
0x89: {  	[sflag:s30] =	ssyncset.done $0x0  }
0x8a: {  	s12 =	simm.s32 $0x6380;
	[sflag:s30] =	ssyncadd.s32 $0xFFFFC000  }
0x8b: {  	[tilespmem:s31], [sflag:$0x4] =	stream.indirect.gather [hbm4b:s2+s22], $0x80, s12, s22, $0xb8;
	[tilespmem:$0x16400] =	vst v63  }
0x8c: {  	_ =	swait.ge [sflag:s0], $0x4000  }
0x8d: {  	[sflag:s0] =	ssyncset.done $0x0  }
0x8e: {  	s13 =	rddreg [dreg:$0xa];
	[sflag:s0] =	ssyncadd.s32 $0xFFFFC000  }
0x8f: {  	[hbm4b:s13+s4] =	stream.linear.scatter [tilespmem:s28], [sflag:$0x7], $0x4000, $0x38;
	[tilespmem:$0x16400] =	vst v63  }
0x90: {  	_ =	swait.ge [sflag:s20], $0x4000  }
0x91: {  	[sflag:s20] =	ssyncset.done $0x0  }
0x92: {  	s14 =	rddreg [dreg:$0xb];
	[sflag:s20] =	ssyncadd.s32 $0xFFFFC000  }
0x93: {  	[hbm4b:s14+s4] =	stream.linear.scatter [tilespmem:s31], [sflag:$0x8], $0x4000, $0x38;
	[tilespmem:$0x16400] =	vst v63  }
0x94: {  	_ =	swait.ge [sflag:s1], $0x4000  }
0x95: {  	[sflag:s1] =	ssyncset.done $0x0  }
0x96: {  	[sflag:s1] =	ssyncadd.s32 $0xFFFFC000  }
0x97: {  	_ =	swait.ge [sflag:s26], $0x4000  }
0x98: {  	[sflag:s26] =	ssyncset.done $0x0  }
0x99: {  	s7 =	sadd.s32 $0x1, s7;
	[sflag:s26] =	ssyncadd.s32 $0xFFFFC000  }
0x9a: {  	p0 =	sne.s32 s7, s15;
	_ =	swait.ge [sflag:s19], $0x4000  }
.Ltmp1:
0x9b: {  	[sflag:s19] =	ssyncset.done $0x0;
	(pc) =	sbr.rel @p0 .LBB2_1-.Ltmp1, $4  }
0x9c: {  	[sflag:s19] =	ssyncadd.s32 $0xFFFFC000  }
0x9d: {  	_ =	swait.ge [sflag:s30], $0x4000  }
0x9e: {  	[sflag:s30] =	ssyncset.done $0x0  }
0x9f: {  	[sflag:s30] =	ssyncadd.s32 $0xFFFFC000  }
0xa0: {  	_ =	sfence.sel $0x180000  }
0xa1: {  	[bflag:$0x0] =	sbarrier.arrive $0xFFFF  }
0xa2: {  	_ =	strace $0x90000047  }
0xa3: {  	s0 =	stileid.u32;
	[bflag:$0x2] =	sbarrier.arrive $0xFFFF  }
0xa4: {  	p0 =	sne.s32 s0, $0x0;
	s0 =	rddreg [dreg:$0x3]  }
0xa5: {  	s0 =	sadd.s32 @!p0 $0x100000, s0  }
0xa6: {  	[sflag:s0] =	ssyncadd.tile.s32 @!p0 $0x1;
	_ =	shalt  }
.Lfunc_end2:
_tile_overlayer_lowered:
.L_overlay_start_2:
0xa7: {  	(tag) =	ssettag $0x2  }
0xa8: {  	s0 =	rddreg [dreg:$0x0];
	s2 =	stileid.u32  }
0xa9: {  	s1 =	rddreg [dreg:$0x1];
	p0 =	sne.s32 s2, $0x0  }
0xaa: {  	s3 =	rddreg [dreg:$0x2];
	[bflag:$0x3] =	sbarrier.arrive $0xFFFF;
	s2 =	simm.s32 @!p0 $0x1C09  }
0xab: {  	[timem:s3], [sflag:s2] =	dma.local @!p0 [hbm:s0], s1  }
0xac: {  	s0 =	simm.s32 @!p0 $0x9  }
0xad: {  	_ =	swait.ge @!p0 [sflag:s0], s1  }
0xae: {  	s1 =	ssub.s32 @!p0 $0x0, s1;
	[sflag:s0] =	ssyncset.done @!p0 $0x0  }
0xaf: {  	[sflag:s0] =	ssyncadd.s32 @!p0 s1  }
0xb0: {  	[bflag:$0x3] =	sbarrier.arrive $0xFFFF  }
0xb1: {  	_ =	shalt  }

</sc_bundles>
